<compile_context>
chip_gen: v7x
topology: tpu7x:2x2x1
jax: 0.10.2.dev20260603
libtpu: 0.0.44.dev20260713+nightly
codegen_flags: <defaults>
</compile_context>

<pallas_src>
import functools

import jax
import jax.numpy as jnp
from jax import lax
from jax.experimental import pallas as pl
from jax.experimental.pallas import tpu as pltpu
from jax.experimental.pallas import tpu_sc as plsc

N_VOCAB = 1000
EMB = 64
B = 16384
KP1 = 11
NPAIR = KP1 * B
NROWS = NPAIR // 128
GBLK = 8

_info = plsc.get_sparse_core_info()
_NC, _NS = _info.num_cores, _info.num_subcores
NW = _NC * _NS
RPW = NROWS // NW


def _prep_body(vt_ref, ut_ref, c_ref, xt_ref, g_ref, idx_ref):
    vt = vt_ref[...]
    for t in range(GBLK):
        hi = min(N_VOCAB, (t + 1) * 128)
        gt = lax.dot_general(
            vt, ut_ref[:, t * 128:hi],
            dimension_numbers=(((0,), (0,)), ((), ())),
            preferred_element_type=jnp.float32)
        if hi - t * 128 < 128:
            gt = jnp.concatenate(
                [gt, jnp.zeros((N_VOCAB, 128 - (hi - t * 128)), jnp.float32)],
                axis=1)
        g_ref[t * N_VOCAB:(t + 1) * N_VOCAB, :] = gt
    xt = xt_ref[...]
    c = c_ref[...]
    y = (xt >> 7) * 128000 + c[None, :] * 128 + (xt & 127)
    idx_ref[...] = y.reshape(NROWS, 128)


def _softmax_body(x_ref, o_ref):
    x = x_ref[...]
    blocks = [x[k * 128:(k + 1) * 128, :] for k in range(KP1)]
    m = blocks[0]
    for bl in blocks[1:]:
        m = jnp.maximum(m, bl)
    s = jnp.zeros_like(m)
    for bl in blocks:
        s = s + jnp.exp(bl - m)
    per = m + jnp.log(s) - blocks[0]
    o_ref[0, 0] = jnp.sum(per) / B


_mesh = plsc.VectorSubcoreMesh(core_axis_name="c", subcore_axis_name="s")


@functools.partial(
    pl.kernel,
    mesh=_mesh,
    compiler_params=pltpu.CompilerParams(use_tc_tiling_on_sc=False),
    out_type=jax.ShapeDtypeStruct((NROWS, 128), jnp.float32),
    scratch_types=[
        pltpu.VMEM((RPW, 128), jnp.int32),
        pltpu.VMEM((RPW, 128), jnp.float32),
        pltpu.SemaphoreType.DMA,
    ],
)
def _gather_sc(idx_hbm, g_hbm, out_hbm, ridx, dest, sem_g):
    wid = lax.axis_index("s") * _NC + lax.axis_index("c")
    base = wid * RPW
    pltpu.sync_copy(idx_hbm.at[pl.ds(base, RPW)], ridx)
    copies = [
        pltpu.async_copy(g_hbm.at[ridx.at[j]], dest.at[j], sem_g)
        for j in range(RPW)
    ]
    for c in copies:
        c.wait()
    pltpu.sync_copy(dest, out_hbm.at[pl.ds(base, RPW)])


def kernel(cents, conts_negs, V, U):
    cents = cents.astype(jnp.int32)
    conts = conts_negs.astype(jnp.int32)

    g, idx = pl.pallas_call(
        _prep_body,
        out_shape=(
            jax.ShapeDtypeStruct((GBLK * N_VOCAB, 128), jnp.float32),
            jax.ShapeDtypeStruct((NROWS, 128), jnp.int32),
        ),
    )(V.T, U.T, cents, conts.T)

    logits = _gather_sc(idx, g.reshape(GBLK * N_VOCAB * 128))

    out = pl.pallas_call(
        _softmax_body,
        out_shape=jax.ShapeDtypeStruct((1, 1), jnp.float32),
        out_specs=pl.BlockSpec(memory_space=pltpu.SMEM),
    )(logits)
    return out[0, 0]

# --- scband reference (transcript-rebuilt; emitter-appended) ---
"""Pipeline reference for scband-skip-gram-25537875542188 (READ-ONLY COPY).

The authoritative reference and input builder live on the scoring server;
editing this copy changes nothing except your own understanding.
"""

import jax, jax.numpy as jnp
import numpy as np

N_VOCAB = 1000
EMB_DIM = 64
BATCH = 16384
NUM_NEGS = 10


def setup_inputs(seed: int = 0) -> dict:
    key = jax.random.key(seed)
    k1, k2, k3, k4 = jax.random.split(key, 4)
    cents = jax.random.randint(k1, (BATCH,), 0, N_VOCAB, dtype=jnp.int64 if jax.config.read('jax_enable_x64') else jnp.int32)
    conts_negs = jax.random.randint(k2, (BATCH, 1 + NUM_NEGS), 0, N_VOCAB, dtype=jnp.int64 if jax.config.read('jax_enable_x64') else jnp.int32)
    V = jax.random.uniform(k3, (N_VOCAB, EMB_DIM), jnp.float32, -0.01, 0.01)
    U = jax.random.uniform(k4, (N_VOCAB, EMB_DIM), jnp.float32, -0.01, 0.01)
    return {"cents": cents, "conts_negs": conts_negs, "V": V, "U": U}


def reference(cents, conts_negs, V, U):
    # 1. embedding lookups (gather)
    v = jnp.take(V, cents, axis=0)[:, None, :]            # [B, 1, d]
    u = jnp.take(U, conts_negs, axis=0)                   # [B, 1+K, d]
    u = jnp.transpose(u, (0, 2, 1))                       # [B, d, 1+K]
    # 2. logits = cents . conts_negs
    logits = jnp.squeeze(jnp.matmul(v, u), axis=1)        # [B, 1+K]
    # 3. cross entropy against target class 0 (the true context word),
    #    matching torch.nn.CrossEntropyLoss (mean reduction)
    logp = jax.nn.log_softmax(logits, axis=-1)
    loss = -jnp.mean(logp[:, 0])
    return loss

if __name__ == "__main__":
    import jax
    _d = setup_inputs()
    print(jax.jit(kernel)(*tuple(_d.values())))

</pallas_src>

<mosaic_0001>
#map = affine_map<(d0, d1) -> (0, 0)>
#map1 = affine_map<(d0, d1) -> (0)>
module attributes {stable_mosaic.version = 14 : i64} {
  func.func @_gather_sc(%arg0: i32, %arg1: i32, %arg2: memref<1408x128xi32, #tpu.memory_space<hbm>>, %arg3: memref<1024000xf32, #tpu.memory_space<hbm>>, %arg4: memref<1408x128xf32, #tpu.memory_space<hbm>>, %arg5: memref<44x128xi32, #tpu.memory_space<vmem>>, %arg6: memref<44x128xf32, #tpu.memory_space<vmem>>, %arg7: memref<!tpu.dma_semaphore, #tpu.memory_space<semaphore_mem>>) attributes {dimension_semantics = [#tpu.dimension_semantics<core_parallel>, #tpu.dimension_semantics<subcore_parallel>], iteration_bounds = array<i64: 2, 16>, scalar_prefetch = 0 : i64, scratch_operands = 3 : i64, tpu.core_type = #tpu.core_type<sc_vector_subcore>, window_params = [{transform_indices = #map}, {transform_indices = #map1}, {transform_indices = #map}]} {
    %mul3A = arith.constant 2 : i32
    %mul3A_0 = arith.muli %arg1, %mul3A : i32
    %add3A = arith.addi %mul3A_0, %arg0 : i32
    %mul3A_1 = arith.constant 44 : i32
    %mul3A_2 = arith.muli %add3A, %mul3A_1 : i32
    "tpu.region"() ({
      %run_scoped3A = tpu.sem_alloc : memref<!tpu.dma_semaphore, #tpu.memory_space<semaphore_mem>>
      %dma_start3A_881 = arith.constant 0 : i32
      %dma_start3A_882 = tpu.memref_slice %arg2[%mul3A_2, %dma_start3A_881] : memref<1408x128xi32, #tpu.memory_space<hbm>> -> memref<44x128xi32, #tpu.memory_space<hbm>>
      %dma_start3A_883 = arith.constant 0 : i32
      %dma_start3A_884 = tpu.memref_slice %arg2[%mul3A_2, %dma_start3A_883] : memref<1408x128xi32, #tpu.memory_space<hbm>> -> memref<44x128xi32, #tpu.memory_space<hbm>>
      tpu.enqueue_dma source(%dma_start3A_884 : memref<44x128xi32, #tpu.memory_space<hbm>>) target(%arg5 : memref<44x128xi32, #tpu.memory_space<vmem>>) target_semaphore(%run_scoped3A : memref<!tpu.dma_semaphore, #tpu.memory_space<semaphore_mem>>)
      %dma_wait3A_885 = arith.constant 0 : i32
      %dma_wait3A_886 = tpu.memref_slice %arg2[%mul3A_2, %dma_wait3A_885] : memref<1408x128xi32, #tpu.memory_space<hbm>> -> memref<44x128xi32, #tpu.memory_space<hbm>>
      %dma_wait3A_887 = arith.constant 0 : i32
      %dma_wait3A_888 = tpu.memref_slice %arg2[%mul3A_2, %dma_wait3A_887] : memref<1408x128xi32, #tpu.memory_space<hbm>> -> memref<44x128xi32, #tpu.memory_space<hbm>>
      tpu.wait_dma2 semaphore(%run_scoped3A : memref<!tpu.dma_semaphore, #tpu.memory_space<semaphore_mem>>) src(%dma_wait3A_888 : memref<44x128xi32, #tpu.memory_space<hbm>>) dst(%arg5 : memref<44x128xi32, #tpu.memory_space<vmem>>)
      tpu.yield
    }) : () -> ()
    %dma_start3A = arith.constant 0 : i32
    %dma_start3A_3 = arith.constant 0 : i32
    %dma_start3A_4 = arith.constant 0 : i32
    %dma_start3A_5 = tpu.memref_slice %arg6[%dma_start3A_3, %dma_start3A_4] : memref<44x128xf32, #tpu.memory_space<vmem>> -> memref<1x128xf32, #tpu.memory_space<vmem>>
    %dma_start3A_6 = tpu.memref_squeeze %dma_start3A_5 : memref<1x128xf32, #tpu.memory_space<vmem>> -> memref<128xf32, #tpu.memory_space<vmem>>
    %dma_start3A_7 = arith.constant 0 : i32
    %dma_start3A_8 = tpu.memref_slice %arg5[%dma_start3A, %dma_start3A_7] : memref<44x128xi32, #tpu.memory_space<vmem>> -> memref<1x128xi32, #tpu.memory_space<vmem>>
    %dma_start3A_9 = tpu.memref_squeeze %dma_start3A_8 : memref<1x128xi32, #tpu.memory_space<vmem>> -> memref<128xi32, #tpu.memory_space<vmem>>
    %dma_start3A_10 = arith.constant 0 : i32
    %dma_start3A_11 = tpu.memref_slice %arg3[%dma_start3A_10] : memref<1024000xf32, #tpu.memory_space<hbm>> -> memref<1024000xf32, #tpu.memory_space<hbm>>
    tpu.enqueue_indirect_dma source(%dma_start3A_11 : memref<1024000xf32, #tpu.memory_space<hbm>>) target(%dma_start3A_6 : memref<128xf32, #tpu.memory_space<vmem>>) offsets(%dma_start3A_9 : memref<128xi32, #tpu.memory_space<vmem>>) semaphore(%arg7 : memref<!tpu.dma_semaphore, #tpu.memory_space<semaphore_mem>>)
    %dma_start3A_12 = arith.constant 1 : i32
    %dma_start3A_13 = arith.constant 1 : i32
    %dma_start3A_14 = arith.constant 0 : i32
    %dma_start3A_15 = tpu.memref_slice %arg6[%dma_start3A_13, %dma_start3A_14] : memref<44x128xf32, #tpu.memory_space<vmem>> -> memref<1x128xf32, #tpu.memory_space<vmem>>
    %dma_start3A_16 = tpu.memref_squeeze %dma_start3A_15 : memref<1x128xf32, #tpu.memory_space<vmem>> -> memref<128xf32, #tpu.memory_space<vmem>>
    %dma_start3A_17 = arith.constant 0 : i32
    %dma_start3A_18 = tpu.memref_slice %arg5[%dma_start3A_12, %dma_start3A_17] : memref<44x128xi32, #tpu.memory_space<vmem>> -> memref<1x128xi32, #tpu.memory_space<vmem>>
    %dma_start3A_19 = tpu.memref_squeeze %dma_start3A_18 : memref<1x128xi32, #tpu.memory_space<vmem>> -> memref<128xi32, #tpu.memory_space<vmem>>
    %dma_start3A_20 = arith.constant 0 : i32
    %dma_start3A_21 = tpu.memref_slice %arg3[%dma_start3A_20] : memref<1024000xf32, #tpu.memory_space<hbm>> -> memref<1024000xf32, #tpu.memory_space<hbm>>
    tpu.enqueue_indirect_dma source(%dma_start3A_21 : memref<1024000xf32, #tpu.memory_space<hbm>>) target(%dma_start3A_16 : memref<128xf32, #tpu.memory_space<vmem>>) offsets(%dma_start3A_19 : memref<128xi32, #tpu.memory_space<vmem>>) semaphore(%arg7 : memref<!tpu.dma_semaphore, #tpu.memory_space<semaphore_mem>>)
    %dma_start3A_22 = arith.constant 2 : i32
    %dma_start3A_23 = arith.constant 2 : i32
    %dma_start3A_24 = arith.constant 0 : i32
    %dma_start3A_25 = tpu.memref_slice %arg6[%dma_start3A_23, %dma_start3A_24] : memref<44x128xf32, #tpu.memory_space<vmem>> -> memref<1x128xf32, #tpu.memory_space<vmem>>
    %dma_start3A_26 = tpu.memref_squeeze %dma_start3A_25 : memref<1x128xf32, #tpu.memory_space<vmem>> -> memref<128xf32, #tpu.memory_space<vmem>>
    %dma_start3A_27 = arith.constant 0 : i32
    %dma_start3A_28 = tpu.memref_slice %arg5[%dma_start3A_22, %dma_start3A_27] : memref<44x128xi32, #tpu.memory_space<vmem>> -> memref<1x128xi32, #tpu.memory_space<vmem>>
    %dma_start3A_29 = tpu.memref_squeeze %dma_start3A_28 : memref<1x128xi32, #tpu.memory_space<vmem>> -> memref<128xi32, #tpu.memory_space<vmem>>
    %dma_start3A_30 = arith.constant 0 : i32
    %dma_start3A_31 = tpu.memref_slice %arg3[%dma_start3A_30] : memref<1024000xf32, #tpu.memory_space<hbm>> -> memref<1024000xf32, #tpu.memory_space<hbm>>
    tpu.enqueue_indirect_dma source(%dma_start3A_31 : memref<1024000xf32, #tpu.memory_space<hbm>>) target(%dma_start3A_26 : memref<128xf32, #tpu.memory_space<vmem>>) offsets(%dma_start3A_29 : memref<128xi32, #tpu.memory_space<vmem>>) semaphore(%arg7 : memref<!tpu.dma_semaphore, #tpu.memory_space<semaphore_mem>>)
    %dma_start3A_32 = arith.constant 3 : i32
    %dma_start3A_33 = arith.constant 3 : i32
    %dma_start3A_34 = arith.constant 0 : i32
    %dma_start3A_35 = tpu.memref_slice %arg6[%dma_start3A_33, %dma_start3A_34] : memref<44x128xf32, #tpu.memory_space<vmem>> -> memref<1x128xf32, #tpu.memory_space<vmem>>
    %dma_start3A_36 = tpu.memref_squeeze %dma_start3A_35 : memref<1x128xf32, #tpu.memory_space<vmem>> -> memref<128xf32, #tpu.memory_space<vmem>>
    %dma_start3A_37 = arith.constant 0 : i32
    %dma_start3A_38 = tpu.memref_slice %arg5[%dma_start3A_32, %dma_start3A_37] : memref<44x128xi32, #tpu.memory_space<vmem>> -> memref<1x128xi32, #tpu.memory_space<vmem>>
    %dma_start3A_39 = tpu.memref_squeeze %dma_start3A_38 : memref<1x128xi32, #tpu.memory_space<vmem>> -> memref<128xi32, #tpu.memory_space<vmem>>
    %dma_start3A_40 = arith.constant 0 : i32
    %dma_start3A_41 = tpu.memref_slice %arg3[%dma_start3A_40] : memref<1024000xf32, #tpu.memory_space<hbm>> -> memref<1024000xf32, #tpu.memory_space<hbm>>
    tpu.enqueue_indirect_dma source(%dma_start3A_41 : memref<1024000xf32, #tpu.memory_space<hbm>>) target(%dma_start3A_36 : memref<128xf32, #tpu.memory_space<vmem>>) offsets(%dma_start3A_39 : memref<128xi32, #tpu.memory_space<vmem>>) semaphore(%arg7 : memref<!tpu.dma_semaphore, #tpu.memory_space<semaphore_mem>>)
    %dma_start3A_42 = arith.constant 4 : i32
    %dma_start3A_43 = arith.constant 4 : i32
    %dma_start3A_44 = arith.constant 0 : i32
    %dma_start3A_45 = tpu.memref_slice %arg6[%dma_start3A_43, %dma_start3A_44] : memref<44x128xf32, #tpu.memory_space<vmem>> -> memref<1x128xf32, #tpu.memory_space<vmem>>
    %dma_start3A_46 = tpu.memref_squeeze %dma_start3A_45 : memref<1x128xf32, #tpu.memory_space<vmem>> -> memref<128xf32, #tpu.memory_space<vmem>>
    %dma_start3A_47 = arith.constant 0 : i32
    %dma_start3A_48 = tpu.memref_slice %arg5[%dma_start3A_42, %dma_start3A_47] : memref<44x128xi32, #tpu.memory_space<vmem>> -> memref<1x128xi32, #tpu.memory_space<vmem>>
    %dma_start3A_49 = tpu.memref_squeeze %dma_start3A_48 : memref<1x128xi32, #tpu.memory_space<vmem>> -> memref<128xi32, #tpu.memory_space<vmem>>
    %dma_start3A_50 = arith.constant 0 : i32
    %dma_start3A_51 = tpu.memref_slice %arg3[%dma_start3A_50] : memref<1024000xf32, #tpu.memory_space<hbm>> -> memref<1024000xf32, #tpu.memory_space<hbm>>
    tpu.enqueue_indirect_dma source(%dma_start3A_51 : memref<1024000xf32, #tpu.memory_space<hbm>>) target(%dma_start3A_46 : memref<128xf32, #tpu.memory_space<vmem>>) offsets(%dma_start3A_49 : memref<128xi32, #tpu.memory_space<vmem>>) semaphore(%arg7 : memref<!tpu.dma_semaphore, #tpu.memory_space<semaphore_mem>>)
    %dma_start3A_52 = arith.constant 5 : i32
    %dma_start3A_53 = arith.constant 5 : i32
    %dma_start3A_54 = arith.constant 0 : i32
    %dma_start3A_55 = tpu.memref_slice %arg6[%dma_start3A_53, %dma_start3A_54] : memref<44x128xf32, #tpu.memory_space<vmem>> -> memref<1x128xf32, #tpu.memory_space<vmem>>
    %dma_start3A_56 = tpu.memref_squeeze %dma_start3A_55 : memref<1x128xf32, #tpu.memory_space<vmem>> -> memref<128xf32, #tpu.memory_space<vmem>>
    %dma_start3A_57 = arith.constant 0 : i32
    %dma_start3A_58 = tpu.memref_slice %arg5[%dma_start3A_52, %dma_start3A_57] : memref<44x128xi32, #tpu.memory_space<vmem>> -> memref<1x128xi32, #tpu.memory_space<vmem>>
    %dma_start3A_59 = tpu.memref_squeeze %dma_start3A_58 : memref<1x128xi32, #tpu.memory_space<vmem>> -> memref<128xi32, #tpu.memory_space<vmem>>
    %dma_start3A_60 = arith.constant 0 : i32
    %dma_start3A_61 = tpu.memref_slice %arg3[%dma_start3A_60] : memref<1024000xf32, #tpu.memory_space<hbm>> -> memref<1024000xf32, #tpu.memory_space<hbm>>
    tpu.enqueue_indirect_dma source(%dma_start3A_61 : memref<1024000xf32, #tpu.memory_space<hbm>>) target(%dma_start3A_56 : memref<128xf32, #tpu.memory_space<vmem>>) offsets(%dma_start3A_59 : memref<128xi32, #tpu.memory_space<vmem>>) semaphore(%arg7 : memref<!tpu.dma_semaphore, #tpu.memory_space<semaphore_mem>>)
    %dma_start3A_62 = arith.constant 6 : i32
    %dma_start3A_63 = arith.constant 6 : i32
    %dma_start3A_64 = arith.constant 0 : i32
    %dma_start3A_65 = tpu.memref_slice %arg6[%dma_start3A_63, %dma_start3A_64] : memref<44x128xf32, #tpu.memory_space<vmem>> -> memref<1x128xf32, #tpu.memory_space<vmem>>
    %dma_start3A_66 = tpu.memref_squeeze %dma_start3A_65 : memref<1x128xf32, #tpu.memory_space<vmem>> -> memref<128xf32, #tpu.memory_space<vmem>>
    %dma_start3A_67 = arith.constant 0 : i32
    %dma_start3A_68 = tpu.memref_slice %arg5[%dma_start3A_62, %dma_start3A_67] : memref<44x128xi32, #tpu.memory_space<vmem>> -> memref<1x128xi32, #tpu.memory_space<vmem>>
    %dma_start3A_69 = tpu.memref_squeeze %dma_start3A_68 : memref<1x128xi32, #tpu.memory_space<vmem>> -> memref<128xi32, #tpu.memory_space<vmem>>
    %dma_start3A_70 = arith.constant 0 : i32
    %dma_start3A_71 = tpu.memref_slice %arg3[%dma_start3A_70] : memref<1024000xf32, #tpu.memory_space<hbm>> -> memref<1024000xf32, #tpu.memory_space<hbm>>
    tpu.enqueue_indirect_dma source(%dma_start3A_71 : memref<1024000xf32, #tpu.memory_space<hbm>>) target(%dma_start3A_66 : memref<128xf32, #tpu.memory_space<vmem>>) offsets(%dma_start3A_69 : memref<128xi32, #tpu.memory_space<vmem>>) semaphore(%arg7 : memref<!tpu.dma_semaphore, #tpu.memory_space<semaphore_mem>>)
    %dma_start3A_72 = arith.constant 7 : i32
    %dma_start3A_73 = arith.constant 7 : i32
    %dma_start3A_74 = arith.constant 0 : i32
    %dma_start3A_75 = tpu.memref_slice %arg6[%dma_start3A_73, %dma_start3A_74] : memref<44x128xf32, #tpu.memory_space<vmem>> -> memref<1x128xf32, #tpu.memory_space<vmem>>
    %dma_start3A_76 = tpu.memref_squeeze %dma_start3A_75 : memref<1x128xf32, #tpu.memory_space<vmem>> -> memref<128xf32, #tpu.memory_space<vmem>>
    %dma_start3A_77 = arith.constant 0 : i32
    %dma_start3A_78 = tpu.memref_slice %arg5[%dma_start3A_72, %dma_start3A_77] : memref<44x128xi32, #tpu.memory_space<vmem>> -> memref<1x128xi32, #tpu.memory_space<vmem>>
    %dma_start3A_79 = tpu.memref_squeeze %dma_start3A_78 : memref<1x128xi32, #tpu.memory_space<vmem>> -> memref<128xi32, #tpu.memory_space<vmem>>
    %dma_start3A_80 = arith.constant 0 : i32
    %dma_start3A_81 = tpu.memref_slice %arg3[%dma_start3A_80] : memref<1024000xf32, #tpu.memory_space<hbm>> -> memref<1024000xf32, #tpu.memory_space<hbm>>
    tpu.enqueue_indirect_dma source(%dma_start3A_81 : memref<1024000xf32, #tpu.memory_space<hbm>>) target(%dma_start3A_76 : memref<128xf32, #tpu.memory_space<vmem>>) offsets(%dma_start3A_79 : memref<128xi32, #tpu.memory_space<vmem>>) semaphore(%arg7 : memref<!tpu.dma_semaphore, #tpu.memory_space<semaphore_mem>>)
    %dma_start3A_82 = arith.constant 8 : i32
    %dma_start3A_83 = arith.constant 8 : i32
    %dma_start3A_84 = arith.constant 0 : i32
    %dma_start3A_85 = tpu.memref_slice %arg6[%dma_start3A_83, %dma_start3A_84] : memref<44x128xf32, #tpu.memory_space<vmem>> -> memref<1x128xf32, #tpu.memory_space<vmem>>
    %dma_start3A_86 = tpu.memref_squeeze %dma_start3A_85 : memref<1x128xf32, #tpu.memory_space<vmem>> -> memref<128xf32, #tpu.memory_space<vmem>>
    %dma_start3A_87 = arith.constant 0 : i32
    %dma_start3A_88 = tpu.memref_slice %arg5[%dma_start3A_82, %dma_start3A_87] : memref<44x128xi32, #tpu.memory_space<vmem>> -> memref<1x128xi32, #tpu.memory_space<vmem>>
    %dma_start3A_89 = tpu.memref_squeeze %dma_start3A_88 : memref<1x128xi32, #tpu.memory_space<vmem>> -> memref<128xi32, #tpu.memory_space<vmem>>
    %dma_start3A_90 = arith.constant 0 : i32
    %dma_start3A_91 = tpu.memref_slice %arg3[%dma_start3A_90] : memref<1024000xf32, #tpu.memory_space<hbm>> -> memref<1024000xf32, #tpu.memory_space<hbm>>
    tpu.enqueue_indirect_dma source(%dma_start3A_91 : memref<1024000xf32, #tpu.memory_space<hbm>>) target(%dma_start3A_86 : memref<128xf32, #tpu.memory_space<vmem>>) offsets(%dma_start3A_89 : memref<128xi32, #tpu.memory_space<vmem>>) semaphore(%arg7 : memref<!tpu.dma_semaphore, #tpu.memory_space<semaphore_mem>>)
    %dma_start3A_92 = arith.constant 9 : i32
    %dma_start3A_93 = arith.constant 9 : i32
    %dma_start3A_94 = arith.constant 0 : i32
    %dma_start3A_95 = tpu.memref_slice %arg6[%dma_start3A_93, %dma_start3A_94] : memref<44x128xf32, #tpu.memory_space<vmem>> -> memref<1x128xf32, #tpu.memory_space<vmem>>
    %dma_start3A_96 = tpu.memref_squeeze %dma_start3A_95 : memref<1x128xf32, #tpu.memory_space<vmem>> -> memref<128xf32, #tpu.memory_space<vmem>>
    %dma_start3A_97 = arith.constant 0 : i32
    %dma_start3A_98 = tpu.memref_slice %arg5[%dma_start3A_92, %dma_start3A_97] : memref<44x128xi32, #tpu.memory_space<vmem>> -> memref<1x128xi32, #tpu.memory_space<vmem>>
    %dma_start3A_99 = tpu.memref_squeeze %dma_start3A_98 : memref<1x128xi32, #tpu.memory_space<vmem>> -> memref<128xi32, #tpu.memory_space<vmem>>
    %dma_start3A_100 = arith.constant 0 : i32
    %dma_start3A_101 = tpu.memref_slice %arg3[%dma_start3A_100] : memref<1024000xf32, #tpu.memory_space<hbm>> -> memref<1024000xf32, #tpu.memory_space<hbm>>
    tpu.enqueue_indirect_dma source(%dma_start3A_101 : memref<1024000xf32, #tpu.memory_space<hbm>>) target(%dma_start3A_96 : memref<128xf32, #tpu.memory_space<vmem>>) offsets(%dma_start3A_99 : memref<128xi32, #tpu.memory_space<vmem>>) semaphore(%arg7 : memref<!tpu.dma_semaphore, #tpu.memory_space<semaphore_mem>>)
    %dma_start3A_102 = arith.constant 10 : i32
    %dma_start3A_103 = arith.constant 10 : i32
    %dma_start3A_104 = arith.constant 0 : i32
    %dma_start3A_105 = tpu.memref_slice %arg6[%dma_start3A_103, %dma_start3A_104] : memref<44x128xf32, #tpu.memory_space<vmem>> -> memref<1x128xf32, #tpu.memory_space<vmem>>
    %dma_start3A_106 = tpu.memref_squeeze %dma_start3A_105 : memref<1x128xf32, #tpu.memory_space<vmem>> -> memref<128xf32, #tpu.memory_space<vmem>>
    %dma_start3A_107 = arith.constant 0 : i32
    %dma_start3A_108 = tpu.memref_slice %arg5[%dma_start3A_102, %dma_start3A_107] : memref<44x128xi32, #tpu.memory_space<vmem>> -> memref<1x128xi32, #tpu.memory_space<vmem>>
    %dma_start3A_109 = tpu.memref_squeeze %dma_start3A_108 : memref<1x128xi32, #tpu.memory_space<vmem>> -> memref<128xi32, #tpu.memory_space<vmem>>
    %dma_start3A_110 = arith.constant 0 : i32
    %dma_start3A_111 = tpu.memref_slice %arg3[%dma_start3A_110] : memref<1024000xf32, #tpu.memory_space<hbm>> -> memref<1024000xf32, #tpu.memory_space<hbm>>
    tpu.enqueue_indirect_dma source(%dma_start3A_111 : memref<1024000xf32, #tpu.memory_space<hbm>>) target(%dma_start3A_106 : memref<128xf32, #tpu.memory_space<vmem>>) offsets(%dma_start3A_109 : memref<128xi32, #tpu.memory_space<vmem>>) semaphore(%arg7 : memref<!tpu.dma_semaphore, #tpu.memory_space<semaphore_mem>>)
    %dma_start3A_112 = arith.constant 11 : i32
    %dma_start3A_113 = arith.constant 11 : i32
    %dma_start3A_114 = arith.constant 0 : i32
    %dma_start3A_115 = tpu.memref_slice %arg6[%dma_start3A_113, %dma_start3A_114] : memref<44x128xf32, #tpu.memory_space<vmem>> -> memref<1x128xf32, #tpu.memory_space<vmem>>
    %dma_start3A_116 = tpu.memref_squeeze %dma_start3A_115 : memref<1x128xf32, #tpu.memory_space<vmem>> -> memref<128xf32, #tpu.memory_space<vmem>>
    %dma_start3A_117 = arith.constant 0 : i32
    %dma_start3A_118 = tpu.memref_slice %arg5[%dma_start3A_112, %dma_start3A_117] : memref<44x128xi32, #tpu.memory_space<vmem>> -> memref<1x128xi32, #tpu.memory_space<vmem>>
    %dma_start3A_119 = tpu.memref_squeeze %dma_start3A_118 : memref<1x128xi32, #tpu.memory_space<vmem>> -> memref<128xi32, #tpu.memory_space<vmem>>
    %dma_start3A_120 = arith.constant 0 : i32
    %dma_start3A_121 = tpu.memref_slice %arg3[%dma_start3A_120] : memref<1024000xf32, #tpu.memory_space<hbm>> -> memref<1024000xf32, #tpu.memory_space<hbm>>
    tpu.enqueue_indirect_dma source(%dma_start3A_121 : memref<1024000xf32, #tpu.memory_space<hbm>>) target(%dma_start3A_116 : memref<128xf32, #tpu.memory_space<vmem>>) offsets(%dma_start3A_119 : memref<128xi32, #tpu.memory_space<vmem>>) semaphore(%arg7 : memref<!tpu.dma_semaphore, #tpu.memory_space<semaphore_mem>>)
    %dma_start3A_122 = arith.constant 12 : i32
    %dma_start3A_123 = arith.constant 12 : i32
    %dma_start3A_124 = arith.constant 0 : i32
    %dma_start3A_125 = tpu.memref_slice %arg6[%dma_start3A_123, %dma_start3A_124] : memref<44x128xf32, #tpu.memory_space<vmem>> -> memref<1x128xf32, #tpu.memory_space<vmem>>
    %dma_start3A_126 = tpu.memref_squeeze %dma_start3A_125 : memref<1x128xf32, #tpu.memory_space<vmem>> -> memref<128xf32, #tpu.memory_space<vmem>>
    %dma_start3A_127 = arith.constant 0 : i32
    %dma_start3A_128 = tpu.memref_slice %arg5[%dma_start3A_122, %dma_start3A_127] : memref<44x128xi32, #tpu.memory_space<vmem>> -> memref<1x128xi32, #tpu.memory_space<vmem>>
    %dma_start3A_129 = tpu.memref_squeeze %dma_start3A_128 : memref<1x128xi32, #tpu.memory_space<vmem>> -> memref<128xi32, #tpu.memory_space<vmem>>
    %dma_start3A_130 = arith.constant 0 : i32
    %dma_start3A_131 = tpu.memref_slice %arg3[%dma_start3A_130] : memref<1024000xf32, #tpu.memory_space<hbm>> -> memref<1024000xf32, #tpu.memory_space<hbm>>
    tpu.enqueue_indirect_dma source(%dma_start3A_131 : memref<1024000xf32, #tpu.memory_space<hbm>>) target(%dma_start3A_126 : memref<128xf32, #tpu.memory_space<vmem>>) offsets(%dma_start3A_129 : memref<128xi32, #tpu.memory_space<vmem>>) semaphore(%arg7 : memref<!tpu.dma_semaphore, #tpu.memory_space<semaphore_mem>>)
    %dma_start3A_132 = arith.constant 13 : i32
    %dma_start3A_133 = arith.constant 13 : i32
    %dma_start3A_134 = arith.constant 0 : i32
    %dma_start3A_135 = tpu.memref_slice %arg6[%dma_start3A_133, %dma_start3A_134] : memref<44x128xf32, #tpu.memory_space<vmem>> -> memref<1x128xf32, #tpu.memory_space<vmem>>
    %dma_start3A_136 = tpu.memref_squeeze %dma_start3A_135 : memref<1x128xf32, #tpu.memory_space<vmem>> -> memref<128xf32, #tpu.memory_space<vmem>>
    %dma_start3A_137 = arith.constant 0 : i32
    %dma_start3A_138 = tpu.memref_slice %arg5[%dma_start3A_132, %dma_start3A_137] : memref<44x128xi32, #tpu.memory_space<vmem>> -> memref<1x128xi32, #tpu.memory_space<vmem>>
    %dma_start3A_139 = tpu.memref_squeeze %dma_start3A_138 : memref<1x128xi32, #tpu.memory_space<vmem>> -> memref<128xi32, #tpu.memory_space<vmem>>
    %dma_start3A_140 = arith.constant 0 : i32
    %dma_start3A_141 = tpu.memref_slice %arg3[%dma_start3A_140] : memref<1024000xf32, #tpu.memory_space<hbm>> -> memref<1024000xf32, #tpu.memory_space<hbm>>
    tpu.enqueue_indirect_dma source(%dma_start3A_141 : memref<1024000xf32, #tpu.memory_space<hbm>>) target(%dma_start3A_136 : memref<128xf32, #tpu.memory_space<vmem>>) offsets(%dma_start3A_139 : memref<128xi32, #tpu.memory_space<vmem>>) semaphore(%arg7 : memref<!tpu.dma_semaphore, #tpu.memory_space<semaphore_mem>>)
    %dma_start3A_142 = arith.constant 14 : i32
    %dma_start3A_143 = arith.constant 14 : i32
    %dma_start3A_144 = arith.constant 0 : i32
    %dma_start3A_145 = tpu.memref_slice %arg6[%dma_start3A_143, %dma_start3A_144] : memref<44x128xf32, #tpu.memory_space<vmem>> -> memref<1x128xf32, #tpu.memory_space<vmem>>
    %dma_start3A_146 = tpu.memref_squeeze %dma_start3A_145 : memref<1x128xf32, #tpu.memory_space<vmem>> -> memref<128xf32, #tpu.memory_space<vmem>>
    %dma_start3A_147 = arith.constant 0 : i32
    %dma_start3A_148 = tpu.memref_slice %arg5[%dma_start3A_142, %dma_start3A_147] : memref<44x128xi32, #tpu.memory_space<vmem>> -> memref<1x128xi32, #tpu.memory_space<vmem>>
    %dma_start3A_149 = tpu.memref_squeeze %dma_start3A_148 : memref<1x128xi32, #tpu.memory_space<vmem>> -> memref<128xi32, #tpu.memory_space<vmem>>
    %dma_start3A_150 = arith.constant 0 : i32
    %dma_start3A_151 = tpu.memref_slice %arg3[%dma_start3A_150] : memref<1024000xf32, #tpu.memory_space<hbm>> -> memref<1024000xf32, #tpu.memory_space<hbm>>
    tpu.enqueue_indirect_dma source(%dma_start3A_151 : memref<1024000xf32, #tpu.memory_space<hbm>>) target(%dma_start3A_146 : memref<128xf32, #tpu.memory_space<vmem>>) offsets(%dma_start3A_149 : memref<128xi32, #tpu.memory_space<vmem>>) semaphore(%arg7 : memref<!tpu.dma_semaphore, #tpu.memory_space<semaphore_mem>>)
    %dma_start3A_152 = arith.constant 15 : i32
    %dma_start3A_153 = arith.constant 15 : i32
    %dma_start3A_154 = arith.constant 0 : i32
    %dma_start3A_155 = tpu.memref_slice %arg6[%dma_start3A_153, %dma_start3A_154] : memref<44x128xf32, #tpu.memory_space<vmem>> -> memref<1x128xf32, #tpu.memory_space<vmem>>
    %dma_start3A_156 = tpu.memref_squeeze %dma_start3A_155 : memref<1x128xf32, #tpu.memory_space<vmem>> -> memref<128xf32, #tpu.memory_space<vmem>>
    %dma_start3A_157 = arith.constant 0 : i32
    %dma_start3A_158 = tpu.memref_slice %arg5[%dma_start3A_152, %dma_start3A_157] : memref<44x128xi32, #tpu.memory_space<vmem>> -> memref<1x128xi32, #tpu.memory_space<vmem>>
    %dma_start3A_159 = tpu.memref_squeeze %dma_start3A_158 : memref<1x128xi32, #tpu.memory_space<vmem>> -> memref<128xi32, #tpu.memory_space<vmem>>
    %dma_start3A_160 = arith.constant 0 : i32
    %dma_start3A_161 = tpu.memref_slice %arg3[%dma_start3A_160] : memref<1024000xf32, #tpu.memory_space<hbm>> -> memref<1024000xf32, #tpu.memory_space<hbm>>
    tpu.enqueue_indirect_dma source(%dma_start3A_161 : memref<1024000xf32, #tpu.memory_space<hbm>>) target(%dma_start3A_156 : memref<128xf32, #tpu.memory_space<vmem>>) offsets(%dma_start3A_159 : memref<128xi32, #tpu.memory_space<vmem>>) semaphore(%arg7 : memref<!tpu.dma_semaphore, #tpu.memory_space<semaphore_mem>>)
    %dma_start3A_162 = arith.constant 16 : i32
    %dma_start3A_163 = arith.constant 16 : i32
    %dma_start3A_164 = arith.constant 0 : i32
    %dma_start3A_165 = tpu.memref_slice %arg6[%dma_start3A_163, %dma_start3A_164] : memref<44x128xf32, #tpu.memory_space<vmem>> -> memref<1x128xf32, #tpu.memory_space<vmem>>
    %dma_start3A_166 = tpu.memref_squeeze %dma_start3A_165 : memref<1x128xf32, #tpu.memory_space<vmem>> -> memref<128xf32, #tpu.memory_space<vmem>>
    %dma_start3A_167 = arith.constant 0 : i32
    %dma_start3A_168 = tpu.memref_slice %arg5[%dma_start3A_162, %dma_start3A_167] : memref<44x128xi32, #tpu.memory_space<vmem>> -> memref<1x128xi32, #tpu.memory_space<vmem>>
    %dma_start3A_169 = tpu.memref_squeeze %dma_start3A_168 : memref<1x128xi32, #tpu.memory_space<vmem>> -> memref<128xi32, #tpu.memory_space<vmem>>
    %dma_start3A_170 = arith.constant 0 : i32
    %dma_start3A_171 = tpu.memref_slice %arg3[%dma_start3A_170] : memref<1024000xf32, #tpu.memory_space<hbm>> -> memref<1024000xf32, #tpu.memory_space<hbm>>
    tpu.enqueue_indirect_dma source(%dma_start3A_171 : memref<1024000xf32, #tpu.memory_space<hbm>>) target(%dma_start3A_166 : memref<128xf32, #tpu.memory_space<vmem>>) offsets(%dma_start3A_169 : memref<128xi32, #tpu.memory_space<vmem>>) semaphore(%arg7 : memref<!tpu.dma_semaphore, #tpu.memory_space<semaphore_mem>>)
    %dma_start3A_172 = arith.constant 17 : i32
    %dma_start3A_173 = arith.constant 17 : i32
    %dma_start3A_174 = arith.constant 0 : i32
    %dma_start3A_175 = tpu.memref_slice %arg6[%dma_start3A_173, %dma_start3A_174] : memref<44x128xf32, #tpu.memory_space<vmem>> -> memref<1x128xf32, #tpu.memory_space<vmem>>
    %dma_start3A_176 = tpu.memref_squeeze %dma_start3A_175 : memref<1x128xf32, #tpu.memory_space<vmem>> -> memref<128xf32, #tpu.memory_space<vmem>>
    %dma_start3A_177 = arith.constant 0 : i32
    %dma_start3A_178 = tpu.memref_slice %arg5[%dma_start3A_172, %dma_start3A_177] : memref<44x128xi32, #tpu.memory_space<vmem>> -> memref<1x128xi32, #tpu.memory_space<vmem>>
    %dma_start3A_179 = tpu.memref_squeeze %dma_start3A_178 : memref<1x128xi32, #tpu.memory_space<vmem>> -> memref<128xi32, #tpu.memory_space<vmem>>
    %dma_start3A_180 = arith.constant 0 : i32
    %dma_start3A_181 = tpu.memref_slice %arg3[%dma_start3A_180] : memref<1024000xf32, #tpu.memory_space<hbm>> -> memref<1024000xf32, #tpu.memory_space<hbm>>
    tpu.enqueue_indirect_dma source(%dma_start3A_181 : memref<1024000xf32, #tpu.memory_space<hbm>>) target(%dma_start3A_176 : memref<128xf32, #tpu.memory_space<vmem>>) offsets(%dma_start3A_179 : memref<128xi32, #tpu.memory_space<vmem>>) semaphore(%arg7 : memref<!tpu.dma_semaphore, #tpu.memory_space<semaphore_mem>>)
    %dma_start3A_182 = arith.constant 18 : i32
    %dma_start3A_183 = arith.constant 18 : i32
    %dma_start3A_184 = arith.constant 0 : i32
    %dma_start3A_185 = tpu.memref_slice %arg6[%dma_start3A_183, %dma_start3A_184] : memref<44x128xf32, #tpu.memory_space<vmem>> -> memref<1x128xf32, #tpu.memory_space<vmem>>
    %dma_start3A_186 = tpu.memref_squeeze %dma_start3A_185 : memref<1x128xf32, #tpu.memory_space<vmem>> -> memref<128xf32, #tpu.memory_space<vmem>>
    %dma_start3A_187 = arith.constant 0 : i32
    %dma_start3A_188 = tpu.memref_slice %arg5[%dma_start3A_182, %dma_start3A_187] : memref<44x128xi32, #tpu.memory_space<vmem>> -> memref<1x128xi32, #tpu.memory_space<vmem>>
    %dma_start3A_189 = tpu.memref_squeeze %dma_start3A_188 : memref<1x128xi32, #tpu.memory_space<vmem>> -> memref<128xi32, #tpu.memory_space<vmem>>
    %dma_start3A_190 = arith.constant 0 : i32
    %dma_start3A_191 = tpu.memref_slice %arg3[%dma_start3A_190] : memref<1024000xf32, #tpu.memory_space<hbm>> -> memref<1024000xf32, #tpu.memory_space<hbm>>
    tpu.enqueue_indirect_dma source(%dma_start3A_191 : memref<1024000xf32, #tpu.memory_space<hbm>>) target(%dma_start3A_186 : memref<128xf32, #tpu.memory_space<vmem>>) offsets(%dma_start3A_189 : memref<128xi32, #tpu.memory_space<vmem>>) semaphore(%arg7 : memref<!tpu.dma_semaphore, #tpu.memory_space<semaphore_mem>>)
    %dma_start3A_192 = arith.constant 19 : i32
    %dma_start3A_193 = arith.constant 19 : i32
    %dma_start3A_194 = arith.constant 0 : i32
    %dma_start3A_195 = tpu.memref_slice %arg6[%dma_start3A_193, %dma_start3A_194] : memref<44x128xf32, #tpu.memory_space<vmem>> -> memref<1x128xf32, #tpu.memory_space<vmem>>
    %dma_start3A_196 = tpu.memref_squeeze %dma_start3A_195 : memref<1x128xf32, #tpu.memory_space<vmem>> -> memref<128xf32, #tpu.memory_space<vmem>>
    %dma_start3A_197 = arith.constant 0 : i32
    %dma_start3A_198 = tpu.memref_slice %arg5[%dma_start3A_192, %dma_start3A_197] : memref<44x128xi32, #tpu.memory_space<vmem>> -> memref<1x128xi32, #tpu.memory_space<vmem>>
    %dma_start3A_199 = tpu.memref_squeeze %dma_start3A_198 : memref<1x128xi32, #tpu.memory_space<vmem>> -> memref<128xi32, #tpu.memory_space<vmem>>
    %dma_start3A_200 = arith.constant 0 : i32
    %dma_start3A_201 = tpu.memref_slice %arg3[%dma_start3A_200] : memref<1024000xf32, #tpu.memory_space<hbm>> -> memref<1024000xf32, #tpu.memory_space<hbm>>
    tpu.enqueue_indirect_dma source(%dma_start3A_201 : memref<1024000xf32, #tpu.memory_space<hbm>>) target(%dma_start3A_196 : memref<128xf32, #tpu.memory_space<vmem>>) offsets(%dma_start3A_199 : memref<128xi32, #tpu.memory_space<vmem>>) semaphore(%arg7 : memref<!tpu.dma_semaphore, #tpu.memory_space<semaphore_mem>>)
    %dma_start3A_202 = arith.constant 20 : i32
    %dma_start3A_203 = arith.constant 20 : i32
    %dma_start3A_204 = arith.constant 0 : i32
    %dma_start3A_205 = tpu.memref_slice %arg6[%dma_start3A_203, %dma_start3A_204] : memref<44x128xf32, #tpu.memory_space<vmem>> -> memref<1x128xf32, #tpu.memory_space<vmem>>
    %dma_start3A_206 = tpu.memref_squeeze %dma_start3A_205 : memref<1x128xf32, #tpu.memory_space<vmem>> -> memref<128xf32, #tpu.memory_space<vmem>>
    %dma_start3A_207 = arith.constant 0 : i32
    %dma_start3A_208 = tpu.memref_slice %arg5[%dma_start3A_202, %dma_start3A_207] : memref<44x128xi32, #tpu.memory_space<vmem>> -> memref<1x128xi32, #tpu.memory_space<vmem>>
    %dma_start3A_209 = tpu.memref_squeeze %dma_start3A_208 : memref<1x128xi32, #tpu.memory_space<vmem>> -> memref<128xi32, #tpu.memory_space<vmem>>
    %dma_start3A_210 = arith.constant 0 : i32
    %dma_start3A_211 = tpu.memref_slice %arg3[%dma_start3A_210] : memref<1024000xf32, #tpu.memory_space<hbm>> -> memref<1024000xf32, #tpu.memory_space<hbm>>
    tpu.enqueue_indirect_dma source(%dma_start3A_211 : memref<1024000xf32, #tpu.memory_space<hbm>>) target(%dma_start3A_206 : memref<128xf32, #tpu.memory_space<vmem>>) offsets(%dma_start3A_209 : memref<128xi32, #tpu.memory_space<vmem>>) semaphore(%arg7 : memref<!tpu.dma_semaphore, #tpu.memory_space<semaphore_mem>>)
    %dma_start3A_212 = arith.constant 21 : i32
    %dma_start3A_213 = arith.constant 21 : i32
    %dma_start3A_214 = arith.constant 0 : i32
    %dma_start3A_215 = tpu.memref_slice %arg6[%dma_start3A_213, %dma_start3A_214] : memref<44x128xf32, #tpu.memory_space<vmem>> -> memref<1x128xf32, #tpu.memory_space<vmem>>
    %dma_start3A_216 = tpu.memref_squeeze %dma_start3A_215 : memref<1x128xf32, #tpu.memory_space<vmem>> -> memref<128xf32, #tpu.memory_space<vmem>>
    %dma_start3A_217 = arith.constant 0 : i32
    %dma_start3A_218 = tpu.memref_slice %arg5[%dma_start3A_212, %dma_start3A_217] : memref<44x128xi32, #tpu.memory_space<vmem>> -> memref<1x128xi32, #tpu.memory_space<vmem>>
    %dma_start3A_219 = tpu.memref_squeeze %dma_start3A_218 : memref<1x128xi32, #tpu.memory_space<vmem>> -> memref<128xi32, #tpu.memory_space<vmem>>
    %dma_start3A_220 = arith.constant 0 : i32
    %dma_start3A_221 = tpu.memref_slice %arg3[%dma_start3A_220] : memref<1024000xf32, #tpu.memory_space<hbm>> -> memref<1024000xf32, #tpu.memory_space<hbm>>
    tpu.enqueue_indirect_dma source(%dma_start3A_221 : memref<1024000xf32, #tpu.memory_space<hbm>>) target(%dma_start3A_216 : memref<128xf32, #tpu.memory_space<vmem>>) offsets(%dma_start3A_219 : memref<128xi32, #tpu.memory_space<vmem>>) semaphore(%arg7 : memref<!tpu.dma_semaphore, #tpu.memory_space<semaphore_mem>>)
    %dma_start3A_222 = arith.constant 22 : i32
    %dma_start3A_223 = arith.constant 22 : i32
    %dma_start3A_224 = arith.constant 0 : i32
    %dma_start3A_225 = tpu.memref_slice %arg6[%dma_start3A_223, %dma_start3A_224] : memref<44x128xf32, #tpu.memory_space<vmem>> -> memref<1x128xf32, #tpu.memory_space<vmem>>
    %dma_start3A_226 = tpu.memref_squeeze %dma_start3A_225 : memref<1x128xf32, #tpu.memory_space<vmem>> -> memref<128xf32, #tpu.memory_space<vmem>>
    %dma_start3A_227 = arith.constant 0 : i32
    %dma_start3A_228 = tpu.memref_slice %arg5[%dma_start3A_222, %dma_start3A_227] : memref<44x128xi32, #tpu.memory_space<vmem>> -> memref<1x128xi32, #tpu.memory_space<vmem>>
    %dma_start3A_229 = tpu.memref_squeeze %dma_start3A_228 : memref<1x128xi32, #tpu.memory_space<vmem>> -> memref<128xi32, #tpu.memory_space<vmem>>
    %dma_start3A_230 = arith.constant 0 : i32
    %dma_start3A_231 = tpu.memref_slice %arg3[%dma_start3A_230] : memref<1024000xf32, #tpu.memory_space<hbm>> -> memref<1024000xf32, #tpu.memory_space<hbm>>
    tpu.enqueue_indirect_dma source(%dma_start3A_231 : memref<1024000xf32, #tpu.memory_space<hbm>>) target(%dma_start3A_226 : memref<128xf32, #tpu.memory_space<vmem>>) offsets(%dma_start3A_229 : memref<128xi32, #tpu.memory_space<vmem>>) semaphore(%arg7 : memref<!tpu.dma_semaphore, #tpu.memory_space<semaphore_mem>>)
    %dma_start3A_232 = arith.constant 23 : i32
    %dma_start3A_233 = arith.constant 23 : i32
    %dma_start3A_234 = arith.constant 0 : i32
    %dma_start3A_235 = tpu.memref_slice %arg6[%dma_start3A_233, %dma_start3A_234] : memref<44x128xf32, #tpu.memory_space<vmem>> -> memref<1x128xf32, #tpu.memory_space<vmem>>
    %dma_start3A_236 = tpu.memref_squeeze %dma_start3A_235 : memref<1x128xf32, #tpu.memory_space<vmem>> -> memref<128xf32, #tpu.memory_space<vmem>>
    %dma_start3A_237 = arith.constant 0 : i32
    %dma_start3A_238 = tpu.memref_slice %arg5[%dma_start3A_232, %dma_start3A_237] : memref<44x128xi32, #tpu.memory_space<vmem>> -> memref<1x128xi32, #tpu.memory_space<vmem>>
    %dma_start3A_239 = tpu.memref_squeeze %dma_start3A_238 : memref<1x128xi32, #tpu.memory_space<vmem>> -> memref<128xi32, #tpu.memory_space<vmem>>
    %dma_start3A_240 = arith.constant 0 : i32
    %dma_start3A_241 = tpu.memref_slice %arg3[%dma_start3A_240] : memref<1024000xf32, #tpu.memory_space<hbm>> -> memref<1024000xf32, #tpu.memory_space<hbm>>
    tpu.enqueue_indirect_dma source(%dma_start3A_241 : memref<1024000xf32, #tpu.memory_space<hbm>>) target(%dma_start3A_236 : memref<128xf32, #tpu.memory_space<vmem>>) offsets(%dma_start3A_239 : memref<128xi32, #tpu.memory_space<vmem>>) semaphore(%arg7 : memref<!tpu.dma_semaphore, #tpu.memory_space<semaphore_mem>>)
    %dma_start3A_242 = arith.constant 24 : i32
    %dma_start3A_243 = arith.constant 24 : i32
    %dma_start3A_244 = arith.constant 0 : i32
    %dma_start3A_245 = tpu.memref_slice %arg6[%dma_start3A_243, %dma_start3A_244] : memref<44x128xf32, #tpu.memory_space<vmem>> -> memref<1x128xf32, #tpu.memory_space<vmem>>
    %dma_start3A_246 = tpu.memref_squeeze %dma_start3A_245 : memref<1x128xf32, #tpu.memory_space<vmem>> -> memref<128xf32, #tpu.memory_space<vmem>>
    %dma_start3A_247 = arith.constant 0 : i32
    %dma_start3A_248 = tpu.memref_slice %arg5[%dma_start3A_242, %dma_start3A_247] : memref<44x128xi32, #tpu.memory_space<vmem>> -> memref<1x128xi32, #tpu.memory_space<vmem>>
    %dma_start3A_249 = tpu.memref_squeeze %dma_start3A_248 : memref<1x128xi32, #tpu.memory_space<vmem>> -> memref<128xi32, #tpu.memory_space<vmem>>
    %dma_start3A_250 = arith.constant 0 : i32
    %dma_start3A_251 = tpu.memref_slice %arg3[%dma_start3A_250] : memref<1024000xf32, #tpu.memory_space<hbm>> -> memref<1024000xf32, #tpu.memory_space<hbm>>
    tpu.enqueue_indirect_dma source(%dma_start3A_251 : memref<1024000xf32, #tpu.memory_space<hbm>>) target(%dma_start3A_246 : memref<128xf32, #tpu.memory_space<vmem>>) offsets(%dma_start3A_249 : memref<128xi32, #tpu.memory_space<vmem>>) semaphore(%arg7 : memref<!tpu.dma_semaphore, #tpu.memory_space<semaphore_mem>>)
    %dma_start3A_252 = arith.constant 25 : i32
    %dma_start3A_253 = arith.constant 25 : i32
    %dma_start3A_254 = arith.constant 0 : i32
    %dma_start3A_255 = tpu.memref_slice %arg6[%dma_start3A_253, %dma_start3A_254] : memref<44x128xf32, #tpu.memory_space<vmem>> -> memref<1x128xf32, #tpu.memory_space<vmem>>
    %dma_start3A_256 = tpu.memref_squeeze %dma_start3A_255 : memref<1x128xf32, #tpu.memory_space<vmem>> -> memref<128xf32, #tpu.memory_space<vmem>>
    %dma_start3A_257 = arith.constant 0 : i32
    %dma_start3A_258 = tpu.memref_slice %arg5[%dma_start3A_252, %dma_start3A_257] : memref<44x128xi32, #tpu.memory_space<vmem>> -> memref<1x128xi32, #tpu.memory_space<vmem>>
    %dma_start3A_259 = tpu.memref_squeeze %dma_start3A_258 : memref<1x128xi32, #tpu.memory_space<vmem>> -> memref<128xi32, #tpu.memory_space<vmem>>
    %dma_start3A_260 = arith.constant 0 : i32
    %dma_start3A_261 = tpu.memref_slice %arg3[%dma_start3A_260] : memref<1024000xf32, #tpu.memory_space<hbm>> -> memref<1024000xf32, #tpu.memory_space<hbm>>
    tpu.enqueue_indirect_dma source(%dma_start3A_261 : memref<1024000xf32, #tpu.memory_space<hbm>>) target(%dma_start3A_256 : memref<128xf32, #tpu.memory_space<vmem>>) offsets(%dma_start3A_259 : memref<128xi32, #tpu.memory_space<vmem>>) semaphore(%arg7 : memref<!tpu.dma_semaphore, #tpu.memory_space<semaphore_mem>>)
    %dma_start3A_262 = arith.constant 26 : i32
    %dma_start3A_263 = arith.constant 26 : i32
    %dma_start3A_264 = arith.constant 0 : i32
    %dma_start3A_265 = tpu.memref_slice %arg6[%dma_start3A_263, %dma_start3A_264] : memref<44x128xf32, #tpu.memory_space<vmem>> -> memref<1x128xf32, #tpu.memory_space<vmem>>
    %dma_start3A_266 = tpu.memref_squeeze %dma_start3A_265 : memref<1x128xf32, #tpu.memory_space<vmem>> -> memref<128xf32, #tpu.memory_space<vmem>>
    %dma_start3A_267 = arith.constant 0 : i32
    %dma_start3A_268 = tpu.memref_slice %arg5[%dma_start3A_262, %dma_start3A_267] : memref<44x128xi32, #tpu.memory_space<vmem>> -> memref<1x128xi32, #tpu.memory_space<vmem>>
    %dma_start3A_269 = tpu.memref_squeeze %dma_start3A_268 : memref<1x128xi32, #tpu.memory_space<vmem>> -> memref<128xi32, #tpu.memory_space<vmem>>
    %dma_start3A_270 = arith.constant 0 : i32
    %dma_start3A_271 = tpu.memref_slice %arg3[%dma_start3A_270] : memref<1024000xf32, #tpu.memory_space<hbm>> -> memref<1024000xf32, #tpu.memory_space<hbm>>
    tpu.enqueue_indirect_dma source(%dma_start3A_271 : memref<1024000xf32, #tpu.memory_space<hbm>>) target(%dma_start3A_266 : memref<128xf32, #tpu.memory_space<vmem>>) offsets(%dma_start3A_269 : memref<128xi32, #tpu.memory_space<vmem>>) semaphore(%arg7 : memref<!tpu.dma_semaphore, #tpu.memory_space<semaphore_mem>>)
    %dma_start3A_272 = arith.constant 27 : i32
    %dma_start3A_273 = arith.constant 27 : i32
    %dma_start3A_274 = arith.constant 0 : i32
    %dma_start3A_275 = tpu.memref_slice %arg6[%dma_start3A_273, %dma_start3A_274] : memref<44x128xf32, #tpu.memory_space<vmem>> -> memref<1x128xf32, #tpu.memory_space<vmem>>
    %dma_start3A_276 = tpu.memref_squeeze %dma_start3A_275 : memref<1x128xf32, #tpu.memory_space<vmem>> -> memref<128xf32, #tpu.memory_space<vmem>>
    %dma_start3A_277 = arith.constant 0 : i32
    %dma_start3A_278 = tpu.memref_slice %arg5[%dma_start3A_272, %dma_start3A_277] : memref<44x128xi32, #tpu.memory_space<vmem>> -> memref<1x128xi32, #tpu.memory_space<vmem>>
    %dma_start3A_279 = tpu.memref_squeeze %dma_start3A_278 : memref<1x128xi32, #tpu.memory_space<vmem>> -> memref<128xi32, #tpu.memory_space<vmem>>
    %dma_start3A_280 = arith.constant 0 : i32
    %dma_start3A_281 = tpu.memref_slice %arg3[%dma_start3A_280] : memref<1024000xf32, #tpu.memory_space<hbm>> -> memref<1024000xf32, #tpu.memory_space<hbm>>
    tpu.enqueue_indirect_dma source(%dma_start3A_281 : memref<1024000xf32, #tpu.memory_space<hbm>>) target(%dma_start3A_276 : memref<128xf32, #tpu.memory_space<vmem>>) offsets(%dma_start3A_279 : memref<128xi32, #tpu.memory_space<vmem>>) semaphore(%arg7 : memref<!tpu.dma_semaphore, #tpu.memory_space<semaphore_mem>>)
    %dma_start3A_282 = arith.constant 28 : i32
    %dma_start3A_283 = arith.constant 28 : i32
    %dma_start3A_284 = arith.constant 0 : i32
    %dma_start3A_285 = tpu.memref_slice %arg6[%dma_start3A_283, %dma_start3A_284] : memref<44x128xf32, #tpu.memory_space<vmem>> -> memref<1x128xf32, #tpu.memory_space<vmem>>
    %dma_start3A_286 = tpu.memref_squeeze %dma_start3A_285 : memref<1x128xf32, #tpu.memory_space<vmem>> -> memref<128xf32, #tpu.memory_space<vmem>>
    %dma_start3A_287 = arith.constant 0 : i32
    %dma_start3A_288 = tpu.memref_slice %arg5[%dma_start3A_282, %dma_start3A_287] : memref<44x128xi32, #tpu.memory_space<vmem>> -> memref<1x128xi32, #tpu.memory_space<vmem>>
    %dma_start3A_289 = tpu.memref_squeeze %dma_start3A_288 : memref<1x128xi32, #tpu.memory_space<vmem>> -> memref<128xi32, #tpu.memory_space<vmem>>
    %dma_start3A_290 = arith.constant 0 : i32
    %dma_start3A_291 = tpu.memref_slice %arg3[%dma_start3A_290] : memref<1024000xf32, #tpu.memory_space<hbm>> -> memref<1024000xf32, #tpu.memory_space<hbm>>
    tpu.enqueue_indirect_dma source(%dma_start3A_291 : memref<1024000xf32, #tpu.memory_space<hbm>>) target(%dma_start3A_286 : memref<128xf32, #tpu.memory_space<vmem>>) offsets(%dma_start3A_289 : memref<128xi32, #tpu.memory_space<vmem>>) semaphore(%arg7 : memref<!tpu.dma_semaphore, #tpu.memory_space<semaphore_mem>>)
    %dma_start3A_292 = arith.constant 29 : i32
    %dma_start3A_293 = arith.constant 29 : i32
    %dma_start3A_294 = arith.constant 0 : i32
    %dma_start3A_295 = tpu.memref_slice %arg6[%dma_start3A_293, %dma_start3A_294] : memref<44x128xf32, #tpu.memory_space<vmem>> -> memref<1x128xf32, #tpu.memory_space<vmem>>
    %dma_start3A_296 = tpu.memref_squeeze %dma_start3A_295 : memref<1x128xf32, #tpu.memory_space<vmem>> -> memref<128xf32, #tpu.memory_space<vmem>>
    %dma_start3A_297 = arith.constant 0 : i32
    %dma_start3A_298 = tpu.memref_slice %arg5[%dma_start3A_292, %dma_start3A_297] : memref<44x128xi32, #tpu.memory_space<vmem>> -> memref<1x128xi32, #tpu.memory_space<vmem>>
    %dma_start3A_299 = tpu.memref_squeeze %dma_start3A_298 : memref<1x128xi32, #tpu.memory_space<vmem>> -> memref<128xi32, #tpu.memory_space<vmem>>
    %dma_start3A_300 = arith.constant 0 : i32
    %dma_start3A_301 = tpu.memref_slice %arg3[%dma_start3A_300] : memref<1024000xf32, #tpu.memory_space<hbm>> -> memref<1024000xf32, #tpu.memory_space<hbm>>
    tpu.enqueue_indirect_dma source(%dma_start3A_301 : memref<1024000xf32, #tpu.memory_space<hbm>>) target(%dma_start3A_296 : memref<128xf32, #tpu.memory_space<vmem>>) offsets(%dma_start3A_299 : memref<128xi32, #tpu.memory_space<vmem>>) semaphore(%arg7 : memref<!tpu.dma_semaphore, #tpu.memory_space<semaphore_mem>>)
    %dma_start3A_302 = arith.constant 30 : i32
    %dma_start3A_303 = arith.constant 30 : i32
    %dma_start3A_304 = arith.constant 0 : i32
    %dma_start3A_305 = tpu.memref_slice %arg6[%dma_start3A_303, %dma_start3A_304] : memref<44x128xf32, #tpu.memory_space<vmem>> -> memref<1x128xf32, #tpu.memory_space<vmem>>
    %dma_start3A_306 = tpu.memref_squeeze %dma_start3A_305 : memref<1x128xf32, #tpu.memory_space<vmem>> -> memref<128xf32, #tpu.memory_space<vmem>>
    %dma_start3A_307 = arith.constant 0 : i32
    %dma_start3A_308 = tpu.memref_slice %arg5[%dma_start3A_302, %dma_start3A_307] : memref<44x128xi32, #tpu.memory_space<vmem>> -> memref<1x128xi32, #tpu.memory_space<vmem>>
    %dma_start3A_309 = tpu.memref_squeeze %dma_start3A_308 : memref<1x128xi32, #tpu.memory_space<vmem>> -> memref<128xi32, #tpu.memory_space<vmem>>
    %dma_start3A_310 = arith.constant 0 : i32
    %dma_start3A_311 = tpu.memref_slice %arg3[%dma_start3A_310] : memref<1024000xf32, #tpu.memory_space<hbm>> -> memref<1024000xf32, #tpu.memory_space<hbm>>
    tpu.enqueue_indirect_dma source(%dma_start3A_311 : memref<1024000xf32, #tpu.memory_space<hbm>>) target(%dma_start3A_306 : memref<128xf32, #tpu.memory_space<vmem>>) offsets(%dma_start3A_309 : memref<128xi32, #tpu.memory_space<vmem>>) semaphore(%arg7 : memref<!tpu.dma_semaphore, #tpu.memory_space<semaphore_mem>>)
    %dma_start3A_312 = arith.constant 31 : i32
    %dma_start3A_313 = arith.constant 31 : i32
    %dma_start3A_314 = arith.constant 0 : i32
    %dma_start3A_315 = tpu.memref_slice %arg6[%dma_start3A_313, %dma_start3A_314] : memref<44x128xf32, #tpu.memory_space<vmem>> -> memref<1x128xf32, #tpu.memory_space<vmem>>
    %dma_start3A_316 = tpu.memref_squeeze %dma_start3A_315 : memref<1x128xf32, #tpu.memory_space<vmem>> -> memref<128xf32, #tpu.memory_space<vmem>>
    %dma_start3A_317 = arith.constant 0 : i32
    %dma_start3A_318 = tpu.memref_slice %arg5[%dma_start3A_312, %dma_start3A_317] : memref<44x128xi32, #tpu.memory_space<vmem>> -> memref<1x128xi32, #tpu.memory_space<vmem>>
    %dma_start3A_319 = tpu.memref_squeeze %dma_start3A_318 : memref<1x128xi32, #tpu.memory_space<vmem>> -> memref<128xi32, #tpu.memory_space<vmem>>
    %dma_start3A_320 = arith.constant 0 : i32
    %dma_start3A_321 = tpu.memref_slice %arg3[%dma_start3A_320] : memref<1024000xf32, #tpu.memory_space<hbm>> -> memref<1024000xf32, #tpu.memory_space<hbm>>
    tpu.enqueue_indirect_dma source(%dma_start3A_321 : memref<1024000xf32, #tpu.memory_space<hbm>>) target(%dma_start3A_316 : memref<128xf32, #tpu.memory_space<vmem>>) offsets(%dma_start3A_319 : memref<128xi32, #tpu.memory_space<vmem>>) semaphore(%arg7 : memref<!tpu.dma_semaphore, #tpu.memory_space<semaphore_mem>>)
    %dma_start3A_322 = arith.constant 32 : i32
    %dma_start3A_323 = arith.constant 32 : i32
    %dma_start3A_324 = arith.constant 0 : i32
    %dma_start3A_325 = tpu.memref_slice %arg6[%dma_start3A_323, %dma_start3A_324] : memref<44x128xf32, #tpu.memory_space<vmem>> -> memref<1x128xf32, #tpu.memory_space<vmem>>
    %dma_start3A_326 = tpu.memref_squeeze %dma_start3A_325 : memref<1x128xf32, #tpu.memory_space<vmem>> -> memref<128xf32, #tpu.memory_space<vmem>>
    %dma_start3A_327 = arith.constant 0 : i32
    %dma_start3A_328 = tpu.memref_slice %arg5[%dma_start3A_322, %dma_start3A_327] : memref<44x128xi32, #tpu.memory_space<vmem>> -> memref<1x128xi32, #tpu.memory_space<vmem>>
    %dma_start3A_329 = tpu.memref_squeeze %dma_start3A_328 : memref<1x128xi32, #tpu.memory_space<vmem>> -> memref<128xi32, #tpu.memory_space<vmem>>
    %dma_start3A_330 = arith.constant 0 : i32
    %dma_start3A_331 = tpu.memref_slice %arg3[%dma_start3A_330] : memref<1024000xf32, #tpu.memory_space<hbm>> -> memref<1024000xf32, #tpu.memory_space<hbm>>
    tpu.enqueue_indirect_dma source(%dma_start3A_331 : memref<1024000xf32, #tpu.memory_space<hbm>>) target(%dma_start3A_326 : memref<128xf32, #tpu.memory_space<vmem>>) offsets(%dma_start3A_329 : memref<128xi32, #tpu.memory_space<vmem>>) semaphore(%arg7 : memref<!tpu.dma_semaphore, #tpu.memory_space<semaphore_mem>>)
    %dma_start3A_332 = arith.constant 33 : i32
    %dma_start3A_333 = arith.constant 33 : i32
    %dma_start3A_334 = arith.constant 0 : i32
    %dma_start3A_335 = tpu.memref_slice %arg6[%dma_start3A_333, %dma_start3A_334] : memref<44x128xf32, #tpu.memory_space<vmem>> -> memref<1x128xf32, #tpu.memory_space<vmem>>
    %dma_start3A_336 = tpu.memref_squeeze %dma_start3A_335 : memref<1x128xf32, #tpu.memory_space<vmem>> -> memref<128xf32, #tpu.memory_space<vmem>>
    %dma_start3A_337 = arith.constant 0 : i32
    %dma_start3A_338 = tpu.memref_slice %arg5[%dma_start3A_332, %dma_start3A_337] : memref<44x128xi32, #tpu.memory_space<vmem>> -> memref<1x128xi32, #tpu.memory_space<vmem>>
    %dma_start3A_339 = tpu.memref_squeeze %dma_start3A_338 : memref<1x128xi32, #tpu.memory_space<vmem>> -> memref<128xi32, #tpu.memory_space<vmem>>
    %dma_start3A_340 = arith.constant 0 : i32
    %dma_start3A_341 = tpu.memref_slice %arg3[%dma_start3A_340] : memref<1024000xf32, #tpu.memory_space<hbm>> -> memref<1024000xf32, #tpu.memory_space<hbm>>
    tpu.enqueue_indirect_dma source(%dma_start3A_341 : memref<1024000xf32, #tpu.memory_space<hbm>>) target(%dma_start3A_336 : memref<128xf32, #tpu.memory_space<vmem>>) offsets(%dma_start3A_339 : memref<128xi32, #tpu.memory_space<vmem>>) semaphore(%arg7 : memref<!tpu.dma_semaphore, #tpu.memory_space<semaphore_mem>>)
    %dma_start3A_342 = arith.constant 34 : i32
    %dma_start3A_343 = arith.constant 34 : i32
    %dma_start3A_344 = arith.constant 0 : i32
    %dma_start3A_345 = tpu.memref_slice %arg6[%dma_start3A_343, %dma_start3A_344] : memref<44x128xf32, #tpu.memory_space<vmem>> -> memref<1x128xf32, #tpu.memory_space<vmem>>
    %dma_start3A_346 = tpu.memref_squeeze %dma_start3A_345 : memref<1x128xf32, #tpu.memory_space<vmem>> -> memref<128xf32, #tpu.memory_space<vmem>>
    %dma_start3A_347 = arith.constant 0 : i32
    %dma_start3A_348 = tpu.memref_slice %arg5[%dma_start3A_342, %dma_start3A_347] : memref<44x128xi32, #tpu.memory_space<vmem>> -> memref<1x128xi32, #tpu.memory_space<vmem>>
    %dma_start3A_349 = tpu.memref_squeeze %dma_start3A_348 : memref<1x128xi32, #tpu.memory_space<vmem>> -> memref<128xi32, #tpu.memory_space<vmem>>
    %dma_start3A_350 = arith.constant 0 : i32
    %dma_start3A_351 = tpu.memref_slice %arg3[%dma_start3A_350] : memref<1024000xf32, #tpu.memory_space<hbm>> -> memref<1024000xf32, #tpu.memory_space<hbm>>
    tpu.enqueue_indirect_dma source(%dma_start3A_351 : memref<1024000xf32, #tpu.memory_space<hbm>>) target(%dma_start3A_346 : memref<128xf32, #tpu.memory_space<vmem>>) offsets(%dma_start3A_349 : memref<128xi32, #tpu.memory_space<vmem>>) semaphore(%arg7 : memref<!tpu.dma_semaphore, #tpu.memory_space<semaphore_mem>>)
    %dma_start3A_352 = arith.constant 35 : i32
    %dma_start3A_353 = arith.constant 35 : i32
    %dma_start3A_354 = arith.constant 0 : i32
    %dma_start3A_355 = tpu.memref_slice %arg6[%dma_start3A_353, %dma_start3A_354] : memref<44x128xf32, #tpu.memory_space<vmem>> -> memref<1x128xf32, #tpu.memory_space<vmem>>
    %dma_start3A_356 = tpu.memref_squeeze %dma_start3A_355 : memref<1x128xf32, #tpu.memory_space<vmem>> -> memref<128xf32, #tpu.memory_space<vmem>>
    %dma_start3A_357 = arith.constant 0 : i32
    %dma_start3A_358 = tpu.memref_slice %arg5[%dma_start3A_352, %dma_start3A_357] : memref<44x128xi32, #tpu.memory_space<vmem>> -> memref<1x128xi32, #tpu.memory_space<vmem>>
    %dma_start3A_359 = tpu.memref_squeeze %dma_start3A_358 : memref<1x128xi32, #tpu.memory_space<vmem>> -> memref<128xi32, #tpu.memory_space<vmem>>
    %dma_start3A_360 = arith.constant 0 : i32
    %dma_start3A_361 = tpu.memref_slice %arg3[%dma_start3A_360] : memref<1024000xf32, #tpu.memory_space<hbm>> -> memref<1024000xf32, #tpu.memory_space<hbm>>
    tpu.enqueue_indirect_dma source(%dma_start3A_361 : memref<1024000xf32, #tpu.memory_space<hbm>>) target(%dma_start3A_356 : memref<128xf32, #tpu.memory_space<vmem>>) offsets(%dma_start3A_359 : memref<128xi32, #tpu.memory_space<vmem>>) semaphore(%arg7 : memref<!tpu.dma_semaphore, #tpu.memory_space<semaphore_mem>>)
    %dma_start3A_362 = arith.constant 36 : i32
    %dma_start3A_363 = arith.constant 36 : i32
    %dma_start3A_364 = arith.constant 0 : i32
    %dma_start3A_365 = tpu.memref_slice %arg6[%dma_start3A_363, %dma_start3A_364] : memref<44x128xf32, #tpu.memory_space<vmem>> -> memref<1x128xf32, #tpu.memory_space<vmem>>
    %dma_start3A_366 = tpu.memref_squeeze %dma_start3A_365 : memref<1x128xf32, #tpu.memory_space<vmem>> -> memref<128xf32, #tpu.memory_space<vmem>>
    %dma_start3A_367 = arith.constant 0 : i32
    %dma_start3A_368 = tpu.memref_slice %arg5[%dma_start3A_362, %dma_start3A_367] : memref<44x128xi32, #tpu.memory_space<vmem>> -> memref<1x128xi32, #tpu.memory_space<vmem>>
    %dma_start3A_369 = tpu.memref_squeeze %dma_start3A_368 : memref<1x128xi32, #tpu.memory_space<vmem>> -> memref<128xi32, #tpu.memory_space<vmem>>
    %dma_start3A_370 = arith.constant 0 : i32
    %dma_start3A_371 = tpu.memref_slice %arg3[%dma_start3A_370] : memref<1024000xf32, #tpu.memory_space<hbm>> -> memref<1024000xf32, #tpu.memory_space<hbm>>
    tpu.enqueue_indirect_dma source(%dma_start3A_371 : memref<1024000xf32, #tpu.memory_space<hbm>>) target(%dma_start3A_366 : memref<128xf32, #tpu.memory_space<vmem>>) offsets(%dma_start3A_369 : memref<128xi32, #tpu.memory_space<vmem>>) semaphore(%arg7 : memref<!tpu.dma_semaphore, #tpu.memory_space<semaphore_mem>>)
    %dma_start3A_372 = arith.constant 37 : i32
    %dma_start3A_373 = arith.constant 37 : i32
    %dma_start3A_374 = arith.constant 0 : i32
    %dma_start3A_375 = tpu.memref_slice %arg6[%dma_start3A_373, %dma_start3A_374] : memref<44x128xf32, #tpu.memory_space<vmem>> -> memref<1x128xf32, #tpu.memory_space<vmem>>
    %dma_start3A_376 = tpu.memref_squeeze %dma_start3A_375 : memref<1x128xf32, #tpu.memory_space<vmem>> -> memref<128xf32, #tpu.memory_space<vmem>>
    %dma_start3A_377 = arith.constant 0 : i32
    %dma_start3A_378 = tpu.memref_slice %arg5[%dma_start3A_372, %dma_start3A_377] : memref<44x128xi32, #tpu.memory_space<vmem>> -> memref<1x128xi32, #tpu.memory_space<vmem>>
    %dma_start3A_379 = tpu.memref_squeeze %dma_start3A_378 : memref<1x128xi32, #tpu.memory_space<vmem>> -> memref<128xi32, #tpu.memory_space<vmem>>
    %dma_start3A_380 = arith.constant 0 : i32
    %dma_start3A_381 = tpu.memref_slice %arg3[%dma_start3A_380] : memref<1024000xf32, #tpu.memory_space<hbm>> -> memref<1024000xf32, #tpu.memory_space<hbm>>
    tpu.enqueue_indirect_dma source(%dma_start3A_381 : memref<1024000xf32, #tpu.memory_space<hbm>>) target(%dma_start3A_376 : memref<128xf32, #tpu.memory_space<vmem>>) offsets(%dma_start3A_379 : memref<128xi32, #tpu.memory_space<vmem>>) semaphore(%arg7 : memref<!tpu.dma_semaphore, #tpu.memory_space<semaphore_mem>>)
    %dma_start3A_382 = arith.constant 38 : i32
    %dma_start3A_383 = arith.constant 38 : i32
    %dma_start3A_384 = arith.constant 0 : i32
    %dma_start3A_385 = tpu.memref_slice %arg6[%dma_start3A_383, %dma_start3A_384] : memref<44x128xf32, #tpu.memory_space<vmem>> -> memref<1x128xf32, #tpu.memory_space<vmem>>
    %dma_start3A_386 = tpu.memref_squeeze %dma_start3A_385 : memref<1x128xf32, #tpu.memory_space<vmem>> -> memref<128xf32, #tpu.memory_space<vmem>>
    %dma_start3A_387 = arith.constant 0 : i32
    %dma_start3A_388 = tpu.memref_slice %arg5[%dma_start3A_382, %dma_start3A_387] : memref<44x128xi32, #tpu.memory_space<vmem>> -> memref<1x128xi32, #tpu.memory_space<vmem>>
    %dma_start3A_389 = tpu.memref_squeeze %dma_start3A_388 : memref<1x128xi32, #tpu.memory_space<vmem>> -> memref<128xi32, #tpu.memory_space<vmem>>
    %dma_start3A_390 = arith.constant 0 : i32
    %dma_start3A_391 = tpu.memref_slice %arg3[%dma_start3A_390] : memref<1024000xf32, #tpu.memory_space<hbm>> -> memref<1024000xf32, #tpu.memory_space<hbm>>
    tpu.enqueue_indirect_dma source(%dma_start3A_391 : memref<1024000xf32, #tpu.memory_space<hbm>>) target(%dma_start3A_386 : memref<128xf32, #tpu.memory_space<vmem>>) offsets(%dma_start3A_389 : memref<128xi32, #tpu.memory_space<vmem>>) semaphore(%arg7 : memref<!tpu.dma_semaphore, #tpu.memory_space<semaphore_mem>>)
    %dma_start3A_392 = arith.constant 39 : i32
    %dma_start3A_393 = arith.constant 39 : i32
    %dma_start3A_394 = arith.constant 0 : i32
    %dma_start3A_395 = tpu.memref_slice %arg6[%dma_start3A_393, %dma_start3A_394] : memref<44x128xf32, #tpu.memory_space<vmem>> -> memref<1x128xf32, #tpu.memory_space<vmem>>
    %dma_start3A_396 = tpu.memref_squeeze %dma_start3A_395 : memref<1x128xf32, #tpu.memory_space<vmem>> -> memref<128xf32, #tpu.memory_space<vmem>>
    %dma_start3A_397 = arith.constant 0 : i32
    %dma_start3A_398 = tpu.memref_slice %arg5[%dma_start3A_392, %dma_start3A_397] : memref<44x128xi32, #tpu.memory_space<vmem>> -> memref<1x128xi32, #tpu.memory_space<vmem>>
    %dma_start3A_399 = tpu.memref_squeeze %dma_start3A_398 : memref<1x128xi32, #tpu.memory_space<vmem>> -> memref<128xi32, #tpu.memory_space<vmem>>
    %dma_start3A_400 = arith.constant 0 : i32
    %dma_start3A_401 = tpu.memref_slice %arg3[%dma_start3A_400] : memref<1024000xf32, #tpu.memory_space<hbm>> -> memref<1024000xf32, #tpu.memory_space<hbm>>
    tpu.enqueue_indirect_dma source(%dma_start3A_401 : memref<1024000xf32, #tpu.memory_space<hbm>>) target(%dma_start3A_396 : memref<128xf32, #tpu.memory_space<vmem>>) offsets(%dma_start3A_399 : memref<128xi32, #tpu.memory_space<vmem>>) semaphore(%arg7 : memref<!tpu.dma_semaphore, #tpu.memory_space<semaphore_mem>>)
    %dma_start3A_402 = arith.constant 40 : i32
    %dma_start3A_403 = arith.constant 40 : i32
    %dma_start3A_404 = arith.constant 0 : i32
    %dma_start3A_405 = tpu.memref_slice %arg6[%dma_start3A_403, %dma_start3A_404] : memref<44x128xf32, #tpu.memory_space<vmem>> -> memref<1x128xf32, #tpu.memory_space<vmem>>
    %dma_start3A_406 = tpu.memref_squeeze %dma_start3A_405 : memref<1x128xf32, #tpu.memory_space<vmem>> -> memref<128xf32, #tpu.memory_space<vmem>>
    %dma_start3A_407 = arith.constant 0 : i32
    %dma_start3A_408 = tpu.memref_slice %arg5[%dma_start3A_402, %dma_start3A_407] : memref<44x128xi32, #tpu.memory_space<vmem>> -> memref<1x128xi32, #tpu.memory_space<vmem>>
    %dma_start3A_409 = tpu.memref_squeeze %dma_start3A_408 : memref<1x128xi32, #tpu.memory_space<vmem>> -> memref<128xi32, #tpu.memory_space<vmem>>
    %dma_start3A_410 = arith.constant 0 : i32
    %dma_start3A_411 = tpu.memref_slice %arg3[%dma_start3A_410] : memref<1024000xf32, #tpu.memory_space<hbm>> -> memref<1024000xf32, #tpu.memory_space<hbm>>
    tpu.enqueue_indirect_dma source(%dma_start3A_411 : memref<1024000xf32, #tpu.memory_space<hbm>>) target(%dma_start3A_406 : memref<128xf32, #tpu.memory_space<vmem>>) offsets(%dma_start3A_409 : memref<128xi32, #tpu.memory_space<vmem>>) semaphore(%arg7 : memref<!tpu.dma_semaphore, #tpu.memory_space<semaphore_mem>>)
    %dma_start3A_412 = arith.constant 41 : i32
    %dma_start3A_413 = arith.constant 41 : i32
    %dma_start3A_414 = arith.constant 0 : i32
    %dma_start3A_415 = tpu.memref_slice %arg6[%dma_start3A_413, %dma_start3A_414] : memref<44x128xf32, #tpu.memory_space<vmem>> -> memref<1x128xf32, #tpu.memory_space<vmem>>
    %dma_start3A_416 = tpu.memref_squeeze %dma_start3A_415 : memref<1x128xf32, #tpu.memory_space<vmem>> -> memref<128xf32, #tpu.memory_space<vmem>>
    %dma_start3A_417 = arith.constant 0 : i32
    %dma_start3A_418 = tpu.memref_slice %arg5[%dma_start3A_412, %dma_start3A_417] : memref<44x128xi32, #tpu.memory_space<vmem>> -> memref<1x128xi32, #tpu.memory_space<vmem>>
    %dma_start3A_419 = tpu.memref_squeeze %dma_start3A_418 : memref<1x128xi32, #tpu.memory_space<vmem>> -> memref<128xi32, #tpu.memory_space<vmem>>
    %dma_start3A_420 = arith.constant 0 : i32
    %dma_start3A_421 = tpu.memref_slice %arg3[%dma_start3A_420] : memref<1024000xf32, #tpu.memory_space<hbm>> -> memref<1024000xf32, #tpu.memory_space<hbm>>
    tpu.enqueue_indirect_dma source(%dma_start3A_421 : memref<1024000xf32, #tpu.memory_space<hbm>>) target(%dma_start3A_416 : memref<128xf32, #tpu.memory_space<vmem>>) offsets(%dma_start3A_419 : memref<128xi32, #tpu.memory_space<vmem>>) semaphore(%arg7 : memref<!tpu.dma_semaphore, #tpu.memory_space<semaphore_mem>>)
    %dma_start3A_422 = arith.constant 42 : i32
    %dma_start3A_423 = arith.constant 42 : i32
    %dma_start3A_424 = arith.constant 0 : i32
    %dma_start3A_425 = tpu.memref_slice %arg6[%dma_start3A_423, %dma_start3A_424] : memref<44x128xf32, #tpu.memory_space<vmem>> -> memref<1x128xf32, #tpu.memory_space<vmem>>
    %dma_start3A_426 = tpu.memref_squeeze %dma_start3A_425 : memref<1x128xf32, #tpu.memory_space<vmem>> -> memref<128xf32, #tpu.memory_space<vmem>>
    %dma_start3A_427 = arith.constant 0 : i32
    %dma_start3A_428 = tpu.memref_slice %arg5[%dma_start3A_422, %dma_start3A_427] : memref<44x128xi32, #tpu.memory_space<vmem>> -> memref<1x128xi32, #tpu.memory_space<vmem>>
    %dma_start3A_429 = tpu.memref_squeeze %dma_start3A_428 : memref<1x128xi32, #tpu.memory_space<vmem>> -> memref<128xi32, #tpu.memory_space<vmem>>
    %dma_start3A_430 = arith.constant 0 : i32
    %dma_start3A_431 = tpu.memref_slice %arg3[%dma_start3A_430] : memref<1024000xf32, #tpu.memory_space<hbm>> -> memref<1024000xf32, #tpu.memory_space<hbm>>
    tpu.enqueue_indirect_dma source(%dma_start3A_431 : memref<1024000xf32, #tpu.memory_space<hbm>>) target(%dma_start3A_426 : memref<128xf32, #tpu.memory_space<vmem>>) offsets(%dma_start3A_429 : memref<128xi32, #tpu.memory_space<vmem>>) semaphore(%arg7 : memref<!tpu.dma_semaphore, #tpu.memory_space<semaphore_mem>>)
    %dma_start3A_432 = arith.constant 43 : i32
    %dma_start3A_433 = arith.constant 43 : i32
    %dma_start3A_434 = arith.constant 0 : i32
    %dma_start3A_435 = tpu.memref_slice %arg6[%dma_start3A_433, %dma_start3A_434] : memref<44x128xf32, #tpu.memory_space<vmem>> -> memref<1x128xf32, #tpu.memory_space<vmem>>
    %dma_start3A_436 = tpu.memref_squeeze %dma_start3A_435 : memref<1x128xf32, #tpu.memory_space<vmem>> -> memref<128xf32, #tpu.memory_space<vmem>>
    %dma_start3A_437 = arith.constant 0 : i32
    %dma_start3A_438 = tpu.memref_slice %arg5[%dma_start3A_432, %dma_start3A_437] : memref<44x128xi32, #tpu.memory_space<vmem>> -> memref<1x128xi32, #tpu.memory_space<vmem>>
    %dma_start3A_439 = tpu.memref_squeeze %dma_start3A_438 : memref<1x128xi32, #tpu.memory_space<vmem>> -> memref<128xi32, #tpu.memory_space<vmem>>
    %dma_start3A_440 = arith.constant 0 : i32
    %dma_start3A_441 = tpu.memref_slice %arg3[%dma_start3A_440] : memref<1024000xf32, #tpu.memory_space<hbm>> -> memref<1024000xf32, #tpu.memory_space<hbm>>
    tpu.enqueue_indirect_dma source(%dma_start3A_441 : memref<1024000xf32, #tpu.memory_space<hbm>>) target(%dma_start3A_436 : memref<128xf32, #tpu.memory_space<vmem>>) offsets(%dma_start3A_439 : memref<128xi32, #tpu.memory_space<vmem>>) semaphore(%arg7 : memref<!tpu.dma_semaphore, #tpu.memory_space<semaphore_mem>>)
    %dma_wait3A = arith.constant 0 : i32
    %dma_wait3A_442 = arith.constant 0 : i32
    %dma_wait3A_443 = arith.constant 0 : i32
    %dma_wait3A_444 = tpu.memref_slice %arg6[%dma_wait3A_442, %dma_wait3A_443] : memref<44x128xf32, #tpu.memory_space<vmem>> -> memref<1x128xf32, #tpu.memory_space<vmem>>
    %dma_wait3A_445 = tpu.memref_squeeze %dma_wait3A_444 : memref<1x128xf32, #tpu.memory_space<vmem>> -> memref<128xf32, #tpu.memory_space<vmem>>
    %dma_wait3A_446 = arith.constant 0 : i32
    %dma_wait3A_447 = tpu.memref_slice %arg5[%dma_wait3A, %dma_wait3A_446] : memref<44x128xi32, #tpu.memory_space<vmem>> -> memref<1x128xi32, #tpu.memory_space<vmem>>
    %dma_wait3A_448 = tpu.memref_squeeze %dma_wait3A_447 : memref<1x128xi32, #tpu.memory_space<vmem>> -> memref<128xi32, #tpu.memory_space<vmem>>
    %dma_wait3A_449 = arith.constant 0 : i32
    %dma_wait3A_450 = tpu.memref_slice %arg3[%dma_wait3A_449] : memref<1024000xf32, #tpu.memory_space<hbm>> -> memref<1024000xf32, #tpu.memory_space<hbm>>
    tpu.wait_indirect_dma semaphore(%arg7 : memref<!tpu.dma_semaphore, #tpu.memory_space<semaphore_mem>>) src(%dma_wait3A_450 : memref<1024000xf32, #tpu.memory_space<hbm>>) dst(%dma_wait3A_445 : memref<128xf32, #tpu.memory_space<vmem>>)
    %dma_wait3A_451 = arith.constant 1 : i32
    %dma_wait3A_452 = arith.constant 1 : i32
    %dma_wait3A_453 = arith.constant 0 : i32
    %dma_wait3A_454 = tpu.memref_slice %arg6[%dma_wait3A_452, %dma_wait3A_453] : memref<44x128xf32, #tpu.memory_space<vmem>> -> memref<1x128xf32, #tpu.memory_space<vmem>>
    %dma_wait3A_455 = tpu.memref_squeeze %dma_wait3A_454 : memref<1x128xf32, #tpu.memory_space<vmem>> -> memref<128xf32, #tpu.memory_space<vmem>>
    %dma_wait3A_456 = arith.constant 0 : i32
    %dma_wait3A_457 = tpu.memref_slice %arg5[%dma_wait3A_451, %dma_wait3A_456] : memref<44x128xi32, #tpu.memory_space<vmem>> -> memref<1x128xi32, #tpu.memory_space<vmem>>
    %dma_wait3A_458 = tpu.memref_squeeze %dma_wait3A_457 : memref<1x128xi32, #tpu.memory_space<vmem>> -> memref<128xi32, #tpu.memory_space<vmem>>
    %dma_wait3A_459 = arith.constant 0 : i32
    %dma_wait3A_460 = tpu.memref_slice %arg3[%dma_wait3A_459] : memref<1024000xf32, #tpu.memory_space<hbm>> -> memref<1024000xf32, #tpu.memory_space<hbm>>
    tpu.wait_indirect_dma semaphore(%arg7 : memref<!tpu.dma_semaphore, #tpu.memory_space<semaphore_mem>>) src(%dma_wait3A_460 : memref<1024000xf32, #tpu.memory_space<hbm>>) dst(%dma_wait3A_455 : memref<128xf32, #tpu.memory_space<vmem>>)
    %dma_wait3A_461 = arith.constant 2 : i32
    %dma_wait3A_462 = arith.constant 2 : i32
    %dma_wait3A_463 = arith.constant 0 : i32
    %dma_wait3A_464 = tpu.memref_slice %arg6[%dma_wait3A_462, %dma_wait3A_463] : memref<44x128xf32, #tpu.memory_space<vmem>> -> memref<1x128xf32, #tpu.memory_space<vmem>>
    %dma_wait3A_465 = tpu.memref_squeeze %dma_wait3A_464 : memref<1x128xf32, #tpu.memory_space<vmem>> -> memref<128xf32, #tpu.memory_space<vmem>>
    %dma_wait3A_466 = arith.constant 0 : i32
    %dma_wait3A_467 = tpu.memref_slice %arg5[%dma_wait3A_461, %dma_wait3A_466] : memref<44x128xi32, #tpu.memory_space<vmem>> -> memref<1x128xi32, #tpu.memory_space<vmem>>
    %dma_wait3A_468 = tpu.memref_squeeze %dma_wait3A_467 : memref<1x128xi32, #tpu.memory_space<vmem>> -> memref<128xi32, #tpu.memory_space<vmem>>
    %dma_wait3A_469 = arith.constant 0 : i32
    %dma_wait3A_470 = tpu.memref_slice %arg3[%dma_wait3A_469] : memref<1024000xf32, #tpu.memory_space<hbm>> -> memref<1024000xf32, #tpu.memory_space<hbm>>
    tpu.wait_indirect_dma semaphore(%arg7 : memref<!tpu.dma_semaphore, #tpu.memory_space<semaphore_mem>>) src(%dma_wait3A_470 : memref<1024000xf32, #tpu.memory_space<hbm>>) dst(%dma_wait3A_465 : memref<128xf32, #tpu.memory_space<vmem>>)
    %dma_wait3A_471 = arith.constant 3 : i32
    %dma_wait3A_472 = arith.constant 3 : i32
    %dma_wait3A_473 = arith.constant 0 : i32
    %dma_wait3A_474 = tpu.memref_slice %arg6[%dma_wait3A_472, %dma_wait3A_473] : memref<44x128xf32, #tpu.memory_space<vmem>> -> memref<1x128xf32, #tpu.memory_space<vmem>>
    %dma_wait3A_475 = tpu.memref_squeeze %dma_wait3A_474 : memref<1x128xf32, #tpu.memory_space<vmem>> -> memref<128xf32, #tpu.memory_space<vmem>>
    %dma_wait3A_476 = arith.constant 0 : i32
    %dma_wait3A_477 = tpu.memref_slice %arg5[%dma_wait3A_471, %dma_wait3A_476] : memref<44x128xi32, #tpu.memory_space<vmem>> -> memref<1x128xi32, #tpu.memory_space<vmem>>
    %dma_wait3A_478 = tpu.memref_squeeze %dma_wait3A_477 : memref<1x128xi32, #tpu.memory_space<vmem>> -> memref<128xi32, #tpu.memory_space<vmem>>
    %dma_wait3A_479 = arith.constant 0 : i32
    %dma_wait3A_480 = tpu.memref_slice %arg3[%dma_wait3A_479] : memref<1024000xf32, #tpu.memory_space<hbm>> -> memref<1024000xf32, #tpu.memory_space<hbm>>
    tpu.wait_indirect_dma semaphore(%arg7 : memref<!tpu.dma_semaphore, #tpu.memory_space<semaphore_mem>>) src(%dma_wait3A_480 : memref<1024000xf32, #tpu.memory_space<hbm>>) dst(%dma_wait3A_475 : memref<128xf32, #tpu.memory_space<vmem>>)
    %dma_wait3A_481 = arith.constant 4 : i32
    %dma_wait3A_482 = arith.constant 4 : i32
    %dma_wait3A_483 = arith.constant 0 : i32
    %dma_wait3A_484 = tpu.memref_slice %arg6[%dma_wait3A_482, %dma_wait3A_483] : memref<44x128xf32, #tpu.memory_space<vmem>> -> memref<1x128xf32, #tpu.memory_space<vmem>>
    %dma_wait3A_485 = tpu.memref_squeeze %dma_wait3A_484 : memref<1x128xf32, #tpu.memory_space<vmem>> -> memref<128xf32, #tpu.memory_space<vmem>>
    %dma_wait3A_486 = arith.constant 0 : i32
    %dma_wait3A_487 = tpu.memref_slice %arg5[%dma_wait3A_481, %dma_wait3A_486] : memref<44x128xi32, #tpu.memory_space<vmem>> -> memref<1x128xi32, #tpu.memory_space<vmem>>
    %dma_wait3A_488 = tpu.memref_squeeze %dma_wait3A_487 : memref<1x128xi32, #tpu.memory_space<vmem>> -> memref<128xi32, #tpu.memory_space<vmem>>
    %dma_wait3A_489 = arith.constant 0 : i32
    %dma_wait3A_490 = tpu.memref_slice %arg3[%dma_wait3A_489] : memref<1024000xf32, #tpu.memory_space<hbm>> -> memref<1024000xf32, #tpu.memory_space<hbm>>
    tpu.wait_indirect_dma semaphore(%arg7 : memref<!tpu.dma_semaphore, #tpu.memory_space<semaphore_mem>>) src(%dma_wait3A_490 : memref<1024000xf32, #tpu.memory_space<hbm>>) dst(%dma_wait3A_485 : memref<128xf32, #tpu.memory_space<vmem>>)
    %dma_wait3A_491 = arith.constant 5 : i32
    %dma_wait3A_492 = arith.constant 5 : i32
    %dma_wait3A_493 = arith.constant 0 : i32
    %dma_wait3A_494 = tpu.memref_slice %arg6[%dma_wait3A_492, %dma_wait3A_493] : memref<44x128xf32, #tpu.memory_space<vmem>> -> memref<1x128xf32, #tpu.memory_space<vmem>>
    %dma_wait3A_495 = tpu.memref_squeeze %dma_wait3A_494 : memref<1x128xf32, #tpu.memory_space<vmem>> -> memref<128xf32, #tpu.memory_space<vmem>>
    %dma_wait3A_496 = arith.constant 0 : i32
    %dma_wait3A_497 = tpu.memref_slice %arg5[%dma_wait3A_491, %dma_wait3A_496] : memref<44x128xi32, #tpu.memory_space<vmem>> -> memref<1x128xi32, #tpu.memory_space<vmem>>
    %dma_wait3A_498 = tpu.memref_squeeze %dma_wait3A_497 : memref<1x128xi32, #tpu.memory_space<vmem>> -> memref<128xi32, #tpu.memory_space<vmem>>
    %dma_wait3A_499 = arith.constant 0 : i32
    %dma_wait3A_500 = tpu.memref_slice %arg3[%dma_wait3A_499] : memref<1024000xf32, #tpu.memory_space<hbm>> -> memref<1024000xf32, #tpu.memory_space<hbm>>
    tpu.wait_indirect_dma semaphore(%arg7 : memref<!tpu.dma_semaphore, #tpu.memory_space<semaphore_mem>>) src(%dma_wait3A_500 : memref<1024000xf32, #tpu.memory_space<hbm>>) dst(%dma_wait3A_495 : memref<128xf32, #tpu.memory_space<vmem>>)
    %dma_wait3A_501 = arith.constant 6 : i32
    %dma_wait3A_502 = arith.constant 6 : i32
    %dma_wait3A_503 = arith.constant 0 : i32
    %dma_wait3A_504 = tpu.memref_slice %arg6[%dma_wait3A_502, %dma_wait3A_503] : memref<44x128xf32, #tpu.memory_space<vmem>> -> memref<1x128xf32, #tpu.memory_space<vmem>>
    %dma_wait3A_505 = tpu.memref_squeeze %dma_wait3A_504 : memref<1x128xf32, #tpu.memory_space<vmem>> -> memref<128xf32, #tpu.memory_space<vmem>>
    %dma_wait3A_506 = arith.constant 0 : i32
    %dma_wait3A_507 = tpu.memref_slice %arg5[%dma_wait3A_501, %dma_wait3A_506] : memref<44x128xi32, #tpu.memory_space<vmem>> -> memref<1x128xi32, #tpu.memory_space<vmem>>
    %dma_wait3A_508 = tpu.memref_squeeze %dma_wait3A_507 : memref<1x128xi32, #tpu.memory_space<vmem>> -> memref<128xi32, #tpu.memory_space<vmem>>
    %dma_wait3A_509 = arith.constant 0 : i32
    %dma_wait3A_510 = tpu.memref_slice %arg3[%dma_wait3A_509] : memref<1024000xf32, #tpu.memory_space<hbm>> -> memref<1024000xf32, #tpu.memory_space<hbm>>
    tpu.wait_indirect_dma semaphore(%arg7 : memref<!tpu.dma_semaphore, #tpu.memory_space<semaphore_mem>>) src(%dma_wait3A_510 : memref<1024000xf32, #tpu.memory_space<hbm>>) dst(%dma_wait3A_505 : memref<128xf32, #tpu.memory_space<vmem>>)
    %dma_wait3A_511 = arith.constant 7 : i32
    %dma_wait3A_512 = arith.constant 7 : i32
    %dma_wait3A_513 = arith.constant 0 : i32
    %dma_wait3A_514 = tpu.memref_slice %arg6[%dma_wait3A_512, %dma_wait3A_513] : memref<44x128xf32, #tpu.memory_space<vmem>> -> memref<1x128xf32, #tpu.memory_space<vmem>>
    %dma_wait3A_515 = tpu.memref_squeeze %dma_wait3A_514 : memref<1x128xf32, #tpu.memory_space<vmem>> -> memref<128xf32, #tpu.memory_space<vmem>>
    %dma_wait3A_516 = arith.constant 0 : i32
    %dma_wait3A_517 = tpu.memref_slice %arg5[%dma_wait3A_511, %dma_wait3A_516] : memref<44x128xi32, #tpu.memory_space<vmem>> -> memref<1x128xi32, #tpu.memory_space<vmem>>
    %dma_wait3A_518 = tpu.memref_squeeze %dma_wait3A_517 : memref<1x128xi32, #tpu.memory_space<vmem>> -> memref<128xi32, #tpu.memory_space<vmem>>
    %dma_wait3A_519 = arith.constant 0 : i32
    %dma_wait3A_520 = tpu.memref_slice %arg3[%dma_wait3A_519] : memref<1024000xf32, #tpu.memory_space<hbm>> -> memref<1024000xf32, #tpu.memory_space<hbm>>
    tpu.wait_indirect_dma semaphore(%arg7 : memref<!tpu.dma_semaphore, #tpu.memory_space<semaphore_mem>>) src(%dma_wait3A_520 : memref<1024000xf32, #tpu.memory_space<hbm>>) dst(%dma_wait3A_515 : memref<128xf32, #tpu.memory_space<vmem>>)
    %dma_wait3A_521 = arith.constant 8 : i32
    %dma_wait3A_522 = arith.constant 8 : i32
    %dma_wait3A_523 = arith.constant 0 : i32
    %dma_wait3A_524 = tpu.memref_slice %arg6[%dma_wait3A_522, %dma_wait3A_523] : memref<44x128xf32, #tpu.memory_space<vmem>> -> memref<1x128xf32, #tpu.memory_space<vmem>>
    %dma_wait3A_525 = tpu.memref_squeeze %dma_wait3A_524 : memref<1x128xf32, #tpu.memory_space<vmem>> -> memref<128xf32, #tpu.memory_space<vmem>>
    %dma_wait3A_526 = arith.constant 0 : i32
    %dma_wait3A_527 = tpu.memref_slice %arg5[%dma_wait3A_521, %dma_wait3A_526] : memref<44x128xi32, #tpu.memory_space<vmem>> -> memref<1x128xi32, #tpu.memory_space<vmem>>
    %dma_wait3A_528 = tpu.memref_squeeze %dma_wait3A_527 : memref<1x128xi32, #tpu.memory_space<vmem>> -> memref<128xi32, #tpu.memory_space<vmem>>
    %dma_wait3A_529 = arith.constant 0 : i32
    %dma_wait3A_530 = tpu.memref_slice %arg3[%dma_wait3A_529] : memref<1024000xf32, #tpu.memory_space<hbm>> -> memref<1024000xf32, #tpu.memory_space<hbm>>
    tpu.wait_indirect_dma semaphore(%arg7 : memref<!tpu.dma_semaphore, #tpu.memory_space<semaphore_mem>>) src(%dma_wait3A_530 : memref<1024000xf32, #tpu.memory_space<hbm>>) dst(%dma_wait3A_525 : memref<128xf32, #tpu.memory_space<vmem>>)
    %dma_wait3A_531 = arith.constant 9 : i32
    %dma_wait3A_532 = arith.constant 9 : i32
    %dma_wait3A_533 = arith.constant 0 : i32
    %dma_wait3A_534 = tpu.memref_slice %arg6[%dma_wait3A_532, %dma_wait3A_533] : memref<44x128xf32, #tpu.memory_space<vmem>> -> memref<1x128xf32, #tpu.memory_space<vmem>>
    %dma_wait3A_535 = tpu.memref_squeeze %dma_wait3A_534 : memref<1x128xf32, #tpu.memory_space<vmem>> -> memref<128xf32, #tpu.memory_space<vmem>>
    %dma_wait3A_536 = arith.constant 0 : i32
    %dma_wait3A_537 = tpu.memref_slice %arg5[%dma_wait3A_531, %dma_wait3A_536] : memref<44x128xi32, #tpu.memory_space<vmem>> -> memref<1x128xi32, #tpu.memory_space<vmem>>
    %dma_wait3A_538 = tpu.memref_squeeze %dma_wait3A_537 : memref<1x128xi32, #tpu.memory_space<vmem>> -> memref<128xi32, #tpu.memory_space<vmem>>
    %dma_wait3A_539 = arith.constant 0 : i32
    %dma_wait3A_540 = tpu.memref_slice %arg3[%dma_wait3A_539] : memref<1024000xf32, #tpu.memory_space<hbm>> -> memref<1024000xf32, #tpu.memory_space<hbm>>
    tpu.wait_indirect_dma semaphore(%arg7 : memref<!tpu.dma_semaphore, #tpu.memory_space<semaphore_mem>>) src(%dma_wait3A_540 : memref<1024000xf32, #tpu.memory_space<hbm>>) dst(%dma_wait3A_535 : memref<128xf32, #tpu.memory_space<vmem>>)
    %dma_wait3A_541 = arith.constant 10 : i32
    %dma_wait3A_542 = arith.constant 10 : i32
    %dma_wait3A_543 = arith.constant 0 : i32
    %dma_wait3A_544 = tpu.memref_slice %arg6[%dma_wait3A_542, %dma_wait3A_543] : memref<44x128xf32, #tpu.memory_space<vmem>> -> memref<1x128xf32, #tpu.memory_space<vmem>>
    %dma_wait3A_545 = tpu.memref_squeeze %dma_wait3A_544 : memref<1x128xf32, #tpu.memory_space<vmem>> -> memref<128xf32, #tpu.memory_space<vmem>>
    %dma_wait3A_546 = arith.constant 0 : i32
    %dma_wait3A_547 = tpu.memref_slice %arg5[%dma_wait3A_541, %dma_wait3A_546] : memref<44x128xi32, #tpu.memory_space<vmem>> -> memref<1x128xi32, #tpu.memory_space<vmem>>
    %dma_wait3A_548 = tpu.memref_squeeze %dma_wait3A_547 : memref<1x128xi32, #tpu.memory_space<vmem>> -> memref<128xi32, #tpu.memory_space<vmem>>
    %dma_wait3A_549 = arith.constant 0 : i32
    %dma_wait3A_550 = tpu.memref_slice %arg3[%dma_wait3A_549] : memref<1024000xf32, #tpu.memory_space<hbm>> -> memref<1024000xf32, #tpu.memory_space<hbm>>
    tpu.wait_indirect_dma semaphore(%arg7 : memref<!tpu.dma_semaphore, #tpu.memory_space<semaphore_mem>>) src(%dma_wait3A_550 : memref<1024000xf32, #tpu.memory_space<hbm>>) dst(%dma_wait3A_545 : memref<128xf32, #tpu.memory_space<vmem>>)
    %dma_wait3A_551 = arith.constant 11 : i32
    %dma_wait3A_552 = arith.constant 11 : i32
    %dma_wait3A_553 = arith.constant 0 : i32
    %dma_wait3A_554 = tpu.memref_slice %arg6[%dma_wait3A_552, %dma_wait3A_553] : memref<44x128xf32, #tpu.memory_space<vmem>> -> memref<1x128xf32, #tpu.memory_space<vmem>>
    %dma_wait3A_555 = tpu.memref_squeeze %dma_wait3A_554 : memref<1x128xf32, #tpu.memory_space<vmem>> -> memref<128xf32, #tpu.memory_space<vmem>>
    %dma_wait3A_556 = arith.constant 0 : i32
    %dma_wait3A_557 = tpu.memref_slice %arg5[%dma_wait3A_551, %dma_wait3A_556] : memref<44x128xi32, #tpu.memory_space<vmem>> -> memref<1x128xi32, #tpu.memory_space<vmem>>
    %dma_wait3A_558 = tpu.memref_squeeze %dma_wait3A_557 : memref<1x128xi32, #tpu.memory_space<vmem>> -> memref<128xi32, #tpu.memory_space<vmem>>
    %dma_wait3A_559 = arith.constant 0 : i32
    %dma_wait3A_560 = tpu.memref_slice %arg3[%dma_wait3A_559] : memref<1024000xf32, #tpu.memory_space<hbm>> -> memref<1024000xf32, #tpu.memory_space<hbm>>
    tpu.wait_indirect_dma semaphore(%arg7 : memref<!tpu.dma_semaphore, #tpu.memory_space<semaphore_mem>>) src(%dma_wait3A_560 : memref<1024000xf32, #tpu.memory_space<hbm>>) dst(%dma_wait3A_555 : memref<128xf32, #tpu.memory_space<vmem>>)
    %dma_wait3A_561 = arith.constant 12 : i32
    %dma_wait3A_562 = arith.constant 12 : i32
    %dma_wait3A_563 = arith.constant 0 : i32
    %dma_wait3A_564 = tpu.memref_slice %arg6[%dma_wait3A_562, %dma_wait3A_563] : memref<44x128xf32, #tpu.memory_space<vmem>> -> memref<1x128xf32, #tpu.memory_space<vmem>>
    %dma_wait3A_565 = tpu.memref_squeeze %dma_wait3A_564 : memref<1x128xf32, #tpu.memory_space<vmem>> -> memref<128xf32, #tpu.memory_space<vmem>>
    %dma_wait3A_566 = arith.constant 0 : i32
    %dma_wait3A_567 = tpu.memref_slice %arg5[%dma_wait3A_561, %dma_wait3A_566] : memref<44x128xi32, #tpu.memory_space<vmem>> -> memref<1x128xi32, #tpu.memory_space<vmem>>
    %dma_wait3A_568 = tpu.memref_squeeze %dma_wait3A_567 : memref<1x128xi32, #tpu.memory_space<vmem>> -> memref<128xi32, #tpu.memory_space<vmem>>
    %dma_wait3A_569 = arith.constant 0 : i32
    %dma_wait3A_570 = tpu.memref_slice %arg3[%dma_wait3A_569] : memref<1024000xf32, #tpu.memory_space<hbm>> -> memref<1024000xf32, #tpu.memory_space<hbm>>
    tpu.wait_indirect_dma semaphore(%arg7 : memref<!tpu.dma_semaphore, #tpu.memory_space<semaphore_mem>>) src(%dma_wait3A_570 : memref<1024000xf32, #tpu.memory_space<hbm>>) dst(%dma_wait3A_565 : memref<128xf32, #tpu.memory_space<vmem>>)
    %dma_wait3A_571 = arith.constant 13 : i32
    %dma_wait3A_572 = arith.constant 13 : i32
    %dma_wait3A_573 = arith.constant 0 : i32
    %dma_wait3A_574 = tpu.memref_slice %arg6[%dma_wait3A_572, %dma_wait3A_573] : memref<44x128xf32, #tpu.memory_space<vmem>> -> memref<1x128xf32, #tpu.memory_space<vmem>>
    %dma_wait3A_575 = tpu.memref_squeeze %dma_wait3A_574 : memref<1x128xf32, #tpu.memory_space<vmem>> -> memref<128xf32, #tpu.memory_space<vmem>>
    %dma_wait3A_576 = arith.constant 0 : i32
    %dma_wait3A_577 = tpu.memref_slice %arg5[%dma_wait3A_571, %dma_wait3A_576] : memref<44x128xi32, #tpu.memory_space<vmem>> -> memref<1x128xi32, #tpu.memory_space<vmem>>
    %dma_wait3A_578 = tpu.memref_squeeze %dma_wait3A_577 : memref<1x128xi32, #tpu.memory_space<vmem>> -> memref<128xi32, #tpu.memory_space<vmem>>
    %dma_wait3A_579 = arith.constant 0 : i32
    %dma_wait3A_580 = tpu.memref_slice %arg3[%dma_wait3A_579] : memref<1024000xf32, #tpu.memory_space<hbm>> -> memref<1024000xf32, #tpu.memory_space<hbm>>
    tpu.wait_indirect_dma semaphore(%arg7 : memref<!tpu.dma_semaphore, #tpu.memory_space<semaphore_mem>>) src(%dma_wait3A_580 : memref<1024000xf32, #tpu.memory_space<hbm>>) dst(%dma_wait3A_575 : memref<128xf32, #tpu.memory_space<vmem>>)
    %dma_wait3A_581 = arith.constant 14 : i32
    %dma_wait3A_582 = arith.constant 14 : i32
    %dma_wait3A_583 = arith.constant 0 : i32
    %dma_wait3A_584 = tpu.memref_slice %arg6[%dma_wait3A_582, %dma_wait3A_583] : memref<44x128xf32, #tpu.memory_space<vmem>> -> memref<1x128xf32, #tpu.memory_space<vmem>>
    %dma_wait3A_585 = tpu.memref_squeeze %dma_wait3A_584 : memref<1x128xf32, #tpu.memory_space<vmem>> -> memref<128xf32, #tpu.memory_space<vmem>>
    %dma_wait3A_586 = arith.constant 0 : i32
    %dma_wait3A_587 = tpu.memref_slice %arg5[%dma_wait3A_581, %dma_wait3A_586] : memref<44x128xi32, #tpu.memory_space<vmem>> -> memref<1x128xi32, #tpu.memory_space<vmem>>
    %dma_wait3A_588 = tpu.memref_squeeze %dma_wait3A_587 : memref<1x128xi32, #tpu.memory_space<vmem>> -> memref<128xi32, #tpu.memory_space<vmem>>
    %dma_wait3A_589 = arith.constant 0 : i32
    %dma_wait3A_590 = tpu.memref_slice %arg3[%dma_wait3A_589] : memref<1024000xf32, #tpu.memory_space<hbm>> -> memref<1024000xf32, #tpu.memory_space<hbm>>
    tpu.wait_indirect_dma semaphore(%arg7 : memref<!tpu.dma_semaphore, #tpu.memory_space<semaphore_mem>>) src(%dma_wait3A_590 : memref<1024000xf32, #tpu.memory_space<hbm>>) dst(%dma_wait3A_585 : memref<128xf32, #tpu.memory_space<vmem>>)
    %dma_wait3A_591 = arith.constant 15 : i32
    %dma_wait3A_592 = arith.constant 15 : i32
    %dma_wait3A_593 = arith.constant 0 : i32
    %dma_wait3A_594 = tpu.memref_slice %arg6[%dma_wait3A_592, %dma_wait3A_593] : memref<44x128xf32, #tpu.memory_space<vmem>> -> memref<1x128xf32, #tpu.memory_space<vmem>>
    %dma_wait3A_595 = tpu.memref_squeeze %dma_wait3A_594 : memref<1x128xf32, #tpu.memory_space<vmem>> -> memref<128xf32, #tpu.memory_space<vmem>>
    %dma_wait3A_596 = arith.constant 0 : i32
    %dma_wait3A_597 = tpu.memref_slice %arg5[%dma_wait3A_591, %dma_wait3A_596] : memref<44x128xi32, #tpu.memory_space<vmem>> -> memref<1x128xi32, #tpu.memory_space<vmem>>
    %dma_wait3A_598 = tpu.memref_squeeze %dma_wait3A_597 : memref<1x128xi32, #tpu.memory_space<vmem>> -> memref<128xi32, #tpu.memory_space<vmem>>
    %dma_wait3A_599 = arith.constant 0 : i32
    %dma_wait3A_600 = tpu.memref_slice %arg3[%dma_wait3A_599] : memref<1024000xf32, #tpu.memory_space<hbm>> -> memref<1024000xf32, #tpu.memory_space<hbm>>
    tpu.wait_indirect_dma semaphore(%arg7 : memref<!tpu.dma_semaphore, #tpu.memory_space<semaphore_mem>>) src(%dma_wait3A_600 : memref<1024000xf32, #tpu.memory_space<hbm>>) dst(%dma_wait3A_595 : memref<128xf32, #tpu.memory_space<vmem>>)
    %dma_wait3A_601 = arith.constant 16 : i32
    %dma_wait3A_602 = arith.constant 16 : i32
    %dma_wait3A_603 = arith.constant 0 : i32
    %dma_wait3A_604 = tpu.memref_slice %arg6[%dma_wait3A_602, %dma_wait3A_603] : memref<44x128xf32, #tpu.memory_space<vmem>> -> memref<1x128xf32, #tpu.memory_space<vmem>>
    %dma_wait3A_605 = tpu.memref_squeeze %dma_wait3A_604 : memref<1x128xf32, #tpu.memory_space<vmem>> -> memref<128xf32, #tpu.memory_space<vmem>>
    %dma_wait3A_606 = arith.constant 0 : i32
    %dma_wait3A_607 = tpu.memref_slice %arg5[%dma_wait3A_601, %dma_wait3A_606] : memref<44x128xi32, #tpu.memory_space<vmem>> -> memref<1x128xi32, #tpu.memory_space<vmem>>
    %dma_wait3A_608 = tpu.memref_squeeze %dma_wait3A_607 : memref<1x128xi32, #tpu.memory_space<vmem>> -> memref<128xi32, #tpu.memory_space<vmem>>
    %dma_wait3A_609 = arith.constant 0 : i32
    %dma_wait3A_610 = tpu.memref_slice %arg3[%dma_wait3A_609] : memref<1024000xf32, #tpu.memory_space<hbm>> -> memref<1024000xf32, #tpu.memory_space<hbm>>
    tpu.wait_indirect_dma semaphore(%arg7 : memref<!tpu.dma_semaphore, #tpu.memory_space<semaphore_mem>>) src(%dma_wait3A_610 : memref<1024000xf32, #tpu.memory_space<hbm>>) dst(%dma_wait3A_605 : memref<128xf32, #tpu.memory_space<vmem>>)
    %dma_wait3A_611 = arith.constant 17 : i32
    %dma_wait3A_612 = arith.constant 17 : i32
    %dma_wait3A_613 = arith.constant 0 : i32
    %dma_wait3A_614 = tpu.memref_slice %arg6[%dma_wait3A_612, %dma_wait3A_613] : memref<44x128xf32, #tpu.memory_space<vmem>> -> memref<1x128xf32, #tpu.memory_space<vmem>>
    %dma_wait3A_615 = tpu.memref_squeeze %dma_wait3A_614 : memref<1x128xf32, #tpu.memory_space<vmem>> -> memref<128xf32, #tpu.memory_space<vmem>>
    %dma_wait3A_616 = arith.constant 0 : i32
    %dma_wait3A_617 = tpu.memref_slice %arg5[%dma_wait3A_611, %dma_wait3A_616] : memref<44x128xi32, #tpu.memory_space<vmem>> -> memref<1x128xi32, #tpu.memory_space<vmem>>
    %dma_wait3A_618 = tpu.memref_squeeze %dma_wait3A_617 : memref<1x128xi32, #tpu.memory_space<vmem>> -> memref<128xi32, #tpu.memory_space<vmem>>
    %dma_wait3A_619 = arith.constant 0 : i32
    %dma_wait3A_620 = tpu.memref_slice %arg3[%dma_wait3A_619] : memref<1024000xf32, #tpu.memory_space<hbm>> -> memref<1024000xf32, #tpu.memory_space<hbm>>
    tpu.wait_indirect_dma semaphore(%arg7 : memref<!tpu.dma_semaphore, #tpu.memory_space<semaphore_mem>>) src(%dma_wait3A_620 : memref<1024000xf32, #tpu.memory_space<hbm>>) dst(%dma_wait3A_615 : memref<128xf32, #tpu.memory_space<vmem>>)
    %dma_wait3A_621 = arith.constant 18 : i32
    %dma_wait3A_622 = arith.constant 18 : i32
    %dma_wait3A_623 = arith.constant 0 : i32
    %dma_wait3A_624 = tpu.memref_slice %arg6[%dma_wait3A_622, %dma_wait3A_623] : memref<44x128xf32, #tpu.memory_space<vmem>> -> memref<1x128xf32, #tpu.memory_space<vmem>>
    %dma_wait3A_625 = tpu.memref_squeeze %dma_wait3A_624 : memref<1x128xf32, #tpu.memory_space<vmem>> -> memref<128xf32, #tpu.memory_space<vmem>>
    %dma_wait3A_626 = arith.constant 0 : i32
    %dma_wait3A_627 = tpu.memref_slice %arg5[%dma_wait3A_621, %dma_wait3A_626] : memref<44x128xi32, #tpu.memory_space<vmem>> -> memref<1x128xi32, #tpu.memory_space<vmem>>
    %dma_wait3A_628 = tpu.memref_squeeze %dma_wait3A_627 : memref<1x128xi32, #tpu.memory_space<vmem>> -> memref<128xi32, #tpu.memory_space<vmem>>
    %dma_wait3A_629 = arith.constant 0 : i32
    %dma_wait3A_630 = tpu.memref_slice %arg3[%dma_wait3A_629] : memref<1024000xf32, #tpu.memory_space<hbm>> -> memref<1024000xf32, #tpu.memory_space<hbm>>
    tpu.wait_indirect_dma semaphore(%arg7 : memref<!tpu.dma_semaphore, #tpu.memory_space<semaphore_mem>>) src(%dma_wait3A_630 : memref<1024000xf32, #tpu.memory_space<hbm>>) dst(%dma_wait3A_625 : memref<128xf32, #tpu.memory_space<vmem>>)
    %dma_wait3A_631 = arith.constant 19 : i32
    %dma_wait3A_632 = arith.constant 19 : i32
    %dma_wait3A_633 = arith.constant 0 : i32
    %dma_wait3A_634 = tpu.memref_slice %arg6[%dma_wait3A_632, %dma_wait3A_633] : memref<44x128xf32, #tpu.memory_space<vmem>> -> memref<1x128xf32, #tpu.memory_space<vmem>>
    %dma_wait3A_635 = tpu.memref_squeeze %dma_wait3A_634 : memref<1x128xf32, #tpu.memory_space<vmem>> -> memref<128xf32, #tpu.memory_space<vmem>>
    %dma_wait3A_636 = arith.constant 0 : i32
    %dma_wait3A_637 = tpu.memref_slice %arg5[%dma_wait3A_631, %dma_wait3A_636] : memref<44x128xi32, #tpu.memory_space<vmem>> -> memref<1x128xi32, #tpu.memory_space<vmem>>
    %dma_wait3A_638 = tpu.memref_squeeze %dma_wait3A_637 : memref<1x128xi32, #tpu.memory_space<vmem>> -> memref<128xi32, #tpu.memory_space<vmem>>
    %dma_wait3A_639 = arith.constant 0 : i32
    %dma_wait3A_640 = tpu.memref_slice %arg3[%dma_wait3A_639] : memref<1024000xf32, #tpu.memory_space<hbm>> -> memref<1024000xf32, #tpu.memory_space<hbm>>
    tpu.wait_indirect_dma semaphore(%arg7 : memref<!tpu.dma_semaphore, #tpu.memory_space<semaphore_mem>>) src(%dma_wait3A_640 : memref<1024000xf32, #tpu.memory_space<hbm>>) dst(%dma_wait3A_635 : memref<128xf32, #tpu.memory_space<vmem>>)
    %dma_wait3A_641 = arith.constant 20 : i32
    %dma_wait3A_642 = arith.constant 20 : i32
    %dma_wait3A_643 = arith.constant 0 : i32
    %dma_wait3A_644 = tpu.memref_slice %arg6[%dma_wait3A_642, %dma_wait3A_643] : memref<44x128xf32, #tpu.memory_space<vmem>> -> memref<1x128xf32, #tpu.memory_space<vmem>>
    %dma_wait3A_645 = tpu.memref_squeeze %dma_wait3A_644 : memref<1x128xf32, #tpu.memory_space<vmem>> -> memref<128xf32, #tpu.memory_space<vmem>>
    %dma_wait3A_646 = arith.constant 0 : i32
    %dma_wait3A_647 = tpu.memref_slice %arg5[%dma_wait3A_641, %dma_wait3A_646] : memref<44x128xi32, #tpu.memory_space<vmem>> -> memref<1x128xi32, #tpu.memory_space<vmem>>
    %dma_wait3A_648 = tpu.memref_squeeze %dma_wait3A_647 : memref<1x128xi32, #tpu.memory_space<vmem>> -> memref<128xi32, #tpu.memory_space<vmem>>
    %dma_wait3A_649 = arith.constant 0 : i32
    %dma_wait3A_650 = tpu.memref_slice %arg3[%dma_wait3A_649] : memref<1024000xf32, #tpu.memory_space<hbm>> -> memref<1024000xf32, #tpu.memory_space<hbm>>
    tpu.wait_indirect_dma semaphore(%arg7 : memref<!tpu.dma_semaphore, #tpu.memory_space<semaphore_mem>>) src(%dma_wait3A_650 : memref<1024000xf32, #tpu.memory_space<hbm>>) dst(%dma_wait3A_645 : memref<128xf32, #tpu.memory_space<vmem>>)
    %dma_wait3A_651 = arith.constant 21 : i32
    %dma_wait3A_652 = arith.constant 21 : i32
    %dma_wait3A_653 = arith.constant 0 : i32
    %dma_wait3A_654 = tpu.memref_slice %arg6[%dma_wait3A_652, %dma_wait3A_653] : memref<44x128xf32, #tpu.memory_space<vmem>> -> memref<1x128xf32, #tpu.memory_space<vmem>>
    %dma_wait3A_655 = tpu.memref_squeeze %dma_wait3A_654 : memref<1x128xf32, #tpu.memory_space<vmem>> -> memref<128xf32, #tpu.memory_space<vmem>>
    %dma_wait3A_656 = arith.constant 0 : i32
    %dma_wait3A_657 = tpu.memref_slice %arg5[%dma_wait3A_651, %dma_wait3A_656] : memref<44x128xi32, #tpu.memory_space<vmem>> -> memref<1x128xi32, #tpu.memory_space<vmem>>
    %dma_wait3A_658 = tpu.memref_squeeze %dma_wait3A_657 : memref<1x128xi32, #tpu.memory_space<vmem>> -> memref<128xi32, #tpu.memory_space<vmem>>
    %dma_wait3A_659 = arith.constant 0 : i32
    %dma_wait3A_660 = tpu.memref_slice %arg3[%dma_wait3A_659] : memref<1024000xf32, #tpu.memory_space<hbm>> -> memref<1024000xf32, #tpu.memory_space<hbm>>
    tpu.wait_indirect_dma semaphore(%arg7 : memref<!tpu.dma_semaphore, #tpu.memory_space<semaphore_mem>>) src(%dma_wait3A_660 : memref<1024000xf32, #tpu.memory_space<hbm>>) dst(%dma_wait3A_655 : memref<128xf32, #tpu.memory_space<vmem>>)
    %dma_wait3A_661 = arith.constant 22 : i32
    %dma_wait3A_662 = arith.constant 22 : i32
    %dma_wait3A_663 = arith.constant 0 : i32
    %dma_wait3A_664 = tpu.memref_slice %arg6[%dma_wait3A_662, %dma_wait3A_663] : memref<44x128xf32, #tpu.memory_space<vmem>> -> memref<1x128xf32, #tpu.memory_space<vmem>>
    %dma_wait3A_665 = tpu.memref_squeeze %dma_wait3A_664 : memref<1x128xf32, #tpu.memory_space<vmem>> -> memref<128xf32, #tpu.memory_space<vmem>>
    %dma_wait3A_666 = arith.constant 0 : i32
    %dma_wait3A_667 = tpu.memref_slice %arg5[%dma_wait3A_661, %dma_wait3A_666] : memref<44x128xi32, #tpu.memory_space<vmem>> -> memref<1x128xi32, #tpu.memory_space<vmem>>
    %dma_wait3A_668 = tpu.memref_squeeze %dma_wait3A_667 : memref<1x128xi32, #tpu.memory_space<vmem>> -> memref<128xi32, #tpu.memory_space<vmem>>
    %dma_wait3A_669 = arith.constant 0 : i32
    %dma_wait3A_670 = tpu.memref_slice %arg3[%dma_wait3A_669] : memref<1024000xf32, #tpu.memory_space<hbm>> -> memref<1024000xf32, #tpu.memory_space<hbm>>
    tpu.wait_indirect_dma semaphore(%arg7 : memref<!tpu.dma_semaphore, #tpu.memory_space<semaphore_mem>>) src(%dma_wait3A_670 : memref<1024000xf32, #tpu.memory_space<hbm>>) dst(%dma_wait3A_665 : memref<128xf32, #tpu.memory_space<vmem>>)
    %dma_wait3A_671 = arith.constant 23 : i32
    %dma_wait3A_672 = arith.constant 23 : i32
    %dma_wait3A_673 = arith.constant 0 : i32
    %dma_wait3A_674 = tpu.memref_slice %arg6[%dma_wait3A_672, %dma_wait3A_673] : memref<44x128xf32, #tpu.memory_space<vmem>> -> memref<1x128xf32, #tpu.memory_space<vmem>>
    %dma_wait3A_675 = tpu.memref_squeeze %dma_wait3A_674 : memref<1x128xf32, #tpu.memory_space<vmem>> -> memref<128xf32, #tpu.memory_space<vmem>>
    %dma_wait3A_676 = arith.constant 0 : i32
    %dma_wait3A_677 = tpu.memref_slice %arg5[%dma_wait3A_671, %dma_wait3A_676] : memref<44x128xi32, #tpu.memory_space<vmem>> -> memref<1x128xi32, #tpu.memory_space<vmem>>
    %dma_wait3A_678 = tpu.memref_squeeze %dma_wait3A_677 : memref<1x128xi32, #tpu.memory_space<vmem>> -> memref<128xi32, #tpu.memory_space<vmem>>
    %dma_wait3A_679 = arith.constant 0 : i32
    %dma_wait3A_680 = tpu.memref_slice %arg3[%dma_wait3A_679] : memref<1024000xf32, #tpu.memory_space<hbm>> -> memref<1024000xf32, #tpu.memory_space<hbm>>
    tpu.wait_indirect_dma semaphore(%arg7 : memref<!tpu.dma_semaphore, #tpu.memory_space<semaphore_mem>>) src(%dma_wait3A_680 : memref<1024000xf32, #tpu.memory_space<hbm>>) dst(%dma_wait3A_675 : memref<128xf32, #tpu.memory_space<vmem>>)
    %dma_wait3A_681 = arith.constant 24 : i32
    %dma_wait3A_682 = arith.constant 24 : i32
    %dma_wait3A_683 = arith.constant 0 : i32
    %dma_wait3A_684 = tpu.memref_slice %arg6[%dma_wait3A_682, %dma_wait3A_683] : memref<44x128xf32, #tpu.memory_space<vmem>> -> memref<1x128xf32, #tpu.memory_space<vmem>>
    %dma_wait3A_685 = tpu.memref_squeeze %dma_wait3A_684 : memref<1x128xf32, #tpu.memory_space<vmem>> -> memref<128xf32, #tpu.memory_space<vmem>>
    %dma_wait3A_686 = arith.constant 0 : i32
    %dma_wait3A_687 = tpu.memref_slice %arg5[%dma_wait3A_681, %dma_wait3A_686] : memref<44x128xi32, #tpu.memory_space<vmem>> -> memref<1x128xi32, #tpu.memory_space<vmem>>
    %dma_wait3A_688 = tpu.memref_squeeze %dma_wait3A_687 : memref<1x128xi32, #tpu.memory_space<vmem>> -> memref<128xi32, #tpu.memory_space<vmem>>
    %dma_wait3A_689 = arith.constant 0 : i32
    %dma_wait3A_690 = tpu.memref_slice %arg3[%dma_wait3A_689] : memref<1024000xf32, #tpu.memory_space<hbm>> -> memref<1024000xf32, #tpu.memory_space<hbm>>
    tpu.wait_indirect_dma semaphore(%arg7 : memref<!tpu.dma_semaphore, #tpu.memory_space<semaphore_mem>>) src(%dma_wait3A_690 : memref<1024000xf32, #tpu.memory_space<hbm>>) dst(%dma_wait3A_685 : memref<128xf32, #tpu.memory_space<vmem>>)
    %dma_wait3A_691 = arith.constant 25 : i32
    %dma_wait3A_692 = arith.constant 25 : i32
    %dma_wait3A_693 = arith.constant 0 : i32
    %dma_wait3A_694 = tpu.memref_slice %arg6[%dma_wait3A_692, %dma_wait3A_693] : memref<44x128xf32, #tpu.memory_space<vmem>> -> memref<1x128xf32, #tpu.memory_space<vmem>>
    %dma_wait3A_695 = tpu.memref_squeeze %dma_wait3A_694 : memref<1x128xf32, #tpu.memory_space<vmem>> -> memref<128xf32, #tpu.memory_space<vmem>>
    %dma_wait3A_696 = arith.constant 0 : i32
    %dma_wait3A_697 = tpu.memref_slice %arg5[%dma_wait3A_691, %dma_wait3A_696] : memref<44x128xi32, #tpu.memory_space<vmem>> -> memref<1x128xi32, #tpu.memory_space<vmem>>
    %dma_wait3A_698 = tpu.memref_squeeze %dma_wait3A_697 : memref<1x128xi32, #tpu.memory_space<vmem>> -> memref<128xi32, #tpu.memory_space<vmem>>
    %dma_wait3A_699 = arith.constant 0 : i32
    %dma_wait3A_700 = tpu.memref_slice %arg3[%dma_wait3A_699] : memref<1024000xf32, #tpu.memory_space<hbm>> -> memref<1024000xf32, #tpu.memory_space<hbm>>
    tpu.wait_indirect_dma semaphore(%arg7 : memref<!tpu.dma_semaphore, #tpu.memory_space<semaphore_mem>>) src(%dma_wait3A_700 : memref<1024000xf32, #tpu.memory_space<hbm>>) dst(%dma_wait3A_695 : memref<128xf32, #tpu.memory_space<vmem>>)
    %dma_wait3A_701 = arith.constant 26 : i32
    %dma_wait3A_702 = arith.constant 26 : i32
    %dma_wait3A_703 = arith.constant 0 : i32
    %dma_wait3A_704 = tpu.memref_slice %arg6[%dma_wait3A_702, %dma_wait3A_703] : memref<44x128xf32, #tpu.memory_space<vmem>> -> memref<1x128xf32, #tpu.memory_space<vmem>>
    %dma_wait3A_705 = tpu.memref_squeeze %dma_wait3A_704 : memref<1x128xf32, #tpu.memory_space<vmem>> -> memref<128xf32, #tpu.memory_space<vmem>>
    %dma_wait3A_706 = arith.constant 0 : i32
    %dma_wait3A_707 = tpu.memref_slice %arg5[%dma_wait3A_701, %dma_wait3A_706] : memref<44x128xi32, #tpu.memory_space<vmem>> -> memref<1x128xi32, #tpu.memory_space<vmem>>
    %dma_wait3A_708 = tpu.memref_squeeze %dma_wait3A_707 : memref<1x128xi32, #tpu.memory_space<vmem>> -> memref<128xi32, #tpu.memory_space<vmem>>
    %dma_wait3A_709 = arith.constant 0 : i32
    %dma_wait3A_710 = tpu.memref_slice %arg3[%dma_wait3A_709] : memref<1024000xf32, #tpu.memory_space<hbm>> -> memref<1024000xf32, #tpu.memory_space<hbm>>
    tpu.wait_indirect_dma semaphore(%arg7 : memref<!tpu.dma_semaphore, #tpu.memory_space<semaphore_mem>>) src(%dma_wait3A_710 : memref<1024000xf32, #tpu.memory_space<hbm>>) dst(%dma_wait3A_705 : memref<128xf32, #tpu.memory_space<vmem>>)
    %dma_wait3A_711 = arith.constant 27 : i32
    %dma_wait3A_712 = arith.constant 27 : i32
    %dma_wait3A_713 = arith.constant 0 : i32
    %dma_wait3A_714 = tpu.memref_slice %arg6[%dma_wait3A_712, %dma_wait3A_713] : memref<44x128xf32, #tpu.memory_space<vmem>> -> memref<1x128xf32, #tpu.memory_space<vmem>>
    %dma_wait3A_715 = tpu.memref_squeeze %dma_wait3A_714 : memref<1x128xf32, #tpu.memory_space<vmem>> -> memref<128xf32, #tpu.memory_space<vmem>>
    %dma_wait3A_716 = arith.constant 0 : i32
    %dma_wait3A_717 = tpu.memref_slice %arg5[%dma_wait3A_711, %dma_wait3A_716] : memref<44x128xi32, #tpu.memory_space<vmem>> -> memref<1x128xi32, #tpu.memory_space<vmem>>
    %dma_wait3A_718 = tpu.memref_squeeze %dma_wait3A_717 : memref<1x128xi32, #tpu.memory_space<vmem>> -> memref<128xi32, #tpu.memory_space<vmem>>
    %dma_wait3A_719 = arith.constant 0 : i32
    %dma_wait3A_720 = tpu.memref_slice %arg3[%dma_wait3A_719] : memref<1024000xf32, #tpu.memory_space<hbm>> -> memref<1024000xf32, #tpu.memory_space<hbm>>
    tpu.wait_indirect_dma semaphore(%arg7 : memref<!tpu.dma_semaphore, #tpu.memory_space<semaphore_mem>>) src(%dma_wait3A_720 : memref<1024000xf32, #tpu.memory_space<hbm>>) dst(%dma_wait3A_715 : memref<128xf32, #tpu.memory_space<vmem>>)
    %dma_wait3A_721 = arith.constant 28 : i32
    %dma_wait3A_722 = arith.constant 28 : i32
    %dma_wait3A_723 = arith.constant 0 : i32
    %dma_wait3A_724 = tpu.memref_slice %arg6[%dma_wait3A_722, %dma_wait3A_723] : memref<44x128xf32, #tpu.memory_space<vmem>> -> memref<1x128xf32, #tpu.memory_space<vmem>>
    %dma_wait3A_725 = tpu.memref_squeeze %dma_wait3A_724 : memref<1x128xf32, #tpu.memory_space<vmem>> -> memref<128xf32, #tpu.memory_space<vmem>>
    %dma_wait3A_726 = arith.constant 0 : i32
    %dma_wait3A_727 = tpu.memref_slice %arg5[%dma_wait3A_721, %dma_wait3A_726] : memref<44x128xi32, #tpu.memory_space<vmem>> -> memref<1x128xi32, #tpu.memory_space<vmem>>
    %dma_wait3A_728 = tpu.memref_squeeze %dma_wait3A_727 : memref<1x128xi32, #tpu.memory_space<vmem>> -> memref<128xi32, #tpu.memory_space<vmem>>
    %dma_wait3A_729 = arith.constant 0 : i32
    %dma_wait3A_730 = tpu.memref_slice %arg3[%dma_wait3A_729] : memref<1024000xf32, #tpu.memory_space<hbm>> -> memref<1024000xf32, #tpu.memory_space<hbm>>
    tpu.wait_indirect_dma semaphore(%arg7 : memref<!tpu.dma_semaphore, #tpu.memory_space<semaphore_mem>>) src(%dma_wait3A_730 : memref<1024000xf32, #tpu.memory_space<hbm>>) dst(%dma_wait3A_725 : memref<128xf32, #tpu.memory_space<vmem>>)
    %dma_wait3A_731 = arith.constant 29 : i32
    %dma_wait3A_732 = arith.constant 29 : i32
    %dma_wait3A_733 = arith.constant 0 : i32
    %dma_wait3A_734 = tpu.memref_slice %arg6[%dma_wait3A_732, %dma_wait3A_733] : memref<44x128xf32, #tpu.memory_space<vmem>> -> memref<1x128xf32, #tpu.memory_space<vmem>>
    %dma_wait3A_735 = tpu.memref_squeeze %dma_wait3A_734 : memref<1x128xf32, #tpu.memory_space<vmem>> -> memref<128xf32, #tpu.memory_space<vmem>>
    %dma_wait3A_736 = arith.constant 0 : i32
    %dma_wait3A_737 = tpu.memref_slice %arg5[%dma_wait3A_731, %dma_wait3A_736] : memref<44x128xi32, #tpu.memory_space<vmem>> -> memref<1x128xi32, #tpu.memory_space<vmem>>
    %dma_wait3A_738 = tpu.memref_squeeze %dma_wait3A_737 : memref<1x128xi32, #tpu.memory_space<vmem>> -> memref<128xi32, #tpu.memory_space<vmem>>
    %dma_wait3A_739 = arith.constant 0 : i32
    %dma_wait3A_740 = tpu.memref_slice %arg3[%dma_wait3A_739] : memref<1024000xf32, #tpu.memory_space<hbm>> -> memref<1024000xf32, #tpu.memory_space<hbm>>
    tpu.wait_indirect_dma semaphore(%arg7 : memref<!tpu.dma_semaphore, #tpu.memory_space<semaphore_mem>>) src(%dma_wait3A_740 : memref<1024000xf32, #tpu.memory_space<hbm>>) dst(%dma_wait3A_735 : memref<128xf32, #tpu.memory_space<vmem>>)
    %dma_wait3A_741 = arith.constant 30 : i32
    %dma_wait3A_742 = arith.constant 30 : i32
    %dma_wait3A_743 = arith.constant 0 : i32
    %dma_wait3A_744 = tpu.memref_slice %arg6[%dma_wait3A_742, %dma_wait3A_743] : memref<44x128xf32, #tpu.memory_space<vmem>> -> memref<1x128xf32, #tpu.memory_space<vmem>>
    %dma_wait3A_745 = tpu.memref_squeeze %dma_wait3A_744 : memref<1x128xf32, #tpu.memory_space<vmem>> -> memref<128xf32, #tpu.memory_space<vmem>>
    %dma_wait3A_746 = arith.constant 0 : i32
    %dma_wait3A_747 = tpu.memref_slice %arg5[%dma_wait3A_741, %dma_wait3A_746] : memref<44x128xi32, #tpu.memory_space<vmem>> -> memref<1x128xi32, #tpu.memory_space<vmem>>
    %dma_wait3A_748 = tpu.memref_squeeze %dma_wait3A_747 : memref<1x128xi32, #tpu.memory_space<vmem>> -> memref<128xi32, #tpu.memory_space<vmem>>
    %dma_wait3A_749 = arith.constant 0 : i32
    %dma_wait3A_750 = tpu.memref_slice %arg3[%dma_wait3A_749] : memref<1024000xf32, #tpu.memory_space<hbm>> -> memref<1024000xf32, #tpu.memory_space<hbm>>
    tpu.wait_indirect_dma semaphore(%arg7 : memref<!tpu.dma_semaphore, #tpu.memory_space<semaphore_mem>>) src(%dma_wait3A_750 : memref<1024000xf32, #tpu.memory_space<hbm>>) dst(%dma_wait3A_745 : memref<128xf32, #tpu.memory_space<vmem>>)
    %dma_wait3A_751 = arith.constant 31 : i32
    %dma_wait3A_752 = arith.constant 31 : i32
    %dma_wait3A_753 = arith.constant 0 : i32
    %dma_wait3A_754 = tpu.memref_slice %arg6[%dma_wait3A_752, %dma_wait3A_753] : memref<44x128xf32, #tpu.memory_space<vmem>> -> memref<1x128xf32, #tpu.memory_space<vmem>>
    %dma_wait3A_755 = tpu.memref_squeeze %dma_wait3A_754 : memref<1x128xf32, #tpu.memory_space<vmem>> -> memref<128xf32, #tpu.memory_space<vmem>>
    %dma_wait3A_756 = arith.constant 0 : i32
    %dma_wait3A_757 = tpu.memref_slice %arg5[%dma_wait3A_751, %dma_wait3A_756] : memref<44x128xi32, #tpu.memory_space<vmem>> -> memref<1x128xi32, #tpu.memory_space<vmem>>
    %dma_wait3A_758 = tpu.memref_squeeze %dma_wait3A_757 : memref<1x128xi32, #tpu.memory_space<vmem>> -> memref<128xi32, #tpu.memory_space<vmem>>
    %dma_wait3A_759 = arith.constant 0 : i32
    %dma_wait3A_760 = tpu.memref_slice %arg3[%dma_wait3A_759] : memref<1024000xf32, #tpu.memory_space<hbm>> -> memref<1024000xf32, #tpu.memory_space<hbm>>
    tpu.wait_indirect_dma semaphore(%arg7 : memref<!tpu.dma_semaphore, #tpu.memory_space<semaphore_mem>>) src(%dma_wait3A_760 : memref<1024000xf32, #tpu.memory_space<hbm>>) dst(%dma_wait3A_755 : memref<128xf32, #tpu.memory_space<vmem>>)
    %dma_wait3A_761 = arith.constant 32 : i32
    %dma_wait3A_762 = arith.constant 32 : i32
    %dma_wait3A_763 = arith.constant 0 : i32
    %dma_wait3A_764 = tpu.memref_slice %arg6[%dma_wait3A_762, %dma_wait3A_763] : memref<44x128xf32, #tpu.memory_space<vmem>> -> memref<1x128xf32, #tpu.memory_space<vmem>>
    %dma_wait3A_765 = tpu.memref_squeeze %dma_wait3A_764 : memref<1x128xf32, #tpu.memory_space<vmem>> -> memref<128xf32, #tpu.memory_space<vmem>>
    %dma_wait3A_766 = arith.constant 0 : i32
    %dma_wait3A_767 = tpu.memref_slice %arg5[%dma_wait3A_761, %dma_wait3A_766] : memref<44x128xi32, #tpu.memory_space<vmem>> -> memref<1x128xi32, #tpu.memory_space<vmem>>
    %dma_wait3A_768 = tpu.memref_squeeze %dma_wait3A_767 : memref<1x128xi32, #tpu.memory_space<vmem>> -> memref<128xi32, #tpu.memory_space<vmem>>
    %dma_wait3A_769 = arith.constant 0 : i32
    %dma_wait3A_770 = tpu.memref_slice %arg3[%dma_wait3A_769] : memref<1024000xf32, #tpu.memory_space<hbm>> -> memref<1024000xf32, #tpu.memory_space<hbm>>
    tpu.wait_indirect_dma semaphore(%arg7 : memref<!tpu.dma_semaphore, #tpu.memory_space<semaphore_mem>>) src(%dma_wait3A_770 : memref<1024000xf32, #tpu.memory_space<hbm>>) dst(%dma_wait3A_765 : memref<128xf32, #tpu.memory_space<vmem>>)
    %dma_wait3A_771 = arith.constant 33 : i32
    %dma_wait3A_772 = arith.constant 33 : i32
    %dma_wait3A_773 = arith.constant 0 : i32
    %dma_wait3A_774 = tpu.memref_slice %arg6[%dma_wait3A_772, %dma_wait3A_773] : memref<44x128xf32, #tpu.memory_space<vmem>> -> memref<1x128xf32, #tpu.memory_space<vmem>>
    %dma_wait3A_775 = tpu.memref_squeeze %dma_wait3A_774 : memref<1x128xf32, #tpu.memory_space<vmem>> -> memref<128xf32, #tpu.memory_space<vmem>>
    %dma_wait3A_776 = arith.constant 0 : i32
    %dma_wait3A_777 = tpu.memref_slice %arg5[%dma_wait3A_771, %dma_wait3A_776] : memref<44x128xi32, #tpu.memory_space<vmem>> -> memref<1x128xi32, #tpu.memory_space<vmem>>
    %dma_wait3A_778 = tpu.memref_squeeze %dma_wait3A_777 : memref<1x128xi32, #tpu.memory_space<vmem>> -> memref<128xi32, #tpu.memory_space<vmem>>
    %dma_wait3A_779 = arith.constant 0 : i32
    %dma_wait3A_780 = tpu.memref_slice %arg3[%dma_wait3A_779] : memref<1024000xf32, #tpu.memory_space<hbm>> -> memref<1024000xf32, #tpu.memory_space<hbm>>
    tpu.wait_indirect_dma semaphore(%arg7 : memref<!tpu.dma_semaphore, #tpu.memory_space<semaphore_mem>>) src(%dma_wait3A_780 : memref<1024000xf32, #tpu.memory_space<hbm>>) dst(%dma_wait3A_775 : memref<128xf32, #tpu.memory_space<vmem>>)
    %dma_wait3A_781 = arith.constant 34 : i32
    %dma_wait3A_782 = arith.constant 34 : i32
    %dma_wait3A_783 = arith.constant 0 : i32
    %dma_wait3A_784 = tpu.memref_slice %arg6[%dma_wait3A_782, %dma_wait3A_783] : memref<44x128xf32, #tpu.memory_space<vmem>> -> memref<1x128xf32, #tpu.memory_space<vmem>>
    %dma_wait3A_785 = tpu.memref_squeeze %dma_wait3A_784 : memref<1x128xf32, #tpu.memory_space<vmem>> -> memref<128xf32, #tpu.memory_space<vmem>>
    %dma_wait3A_786 = arith.constant 0 : i32
    %dma_wait3A_787 = tpu.memref_slice %arg5[%dma_wait3A_781, %dma_wait3A_786] : memref<44x128xi32, #tpu.memory_space<vmem>> -> memref<1x128xi32, #tpu.memory_space<vmem>>
    %dma_wait3A_788 = tpu.memref_squeeze %dma_wait3A_787 : memref<1x128xi32, #tpu.memory_space<vmem>> -> memref<128xi32, #tpu.memory_space<vmem>>
    %dma_wait3A_789 = arith.constant 0 : i32
    %dma_wait3A_790 = tpu.memref_slice %arg3[%dma_wait3A_789] : memref<1024000xf32, #tpu.memory_space<hbm>> -> memref<1024000xf32, #tpu.memory_space<hbm>>
    tpu.wait_indirect_dma semaphore(%arg7 : memref<!tpu.dma_semaphore, #tpu.memory_space<semaphore_mem>>) src(%dma_wait3A_790 : memref<1024000xf32, #tpu.memory_space<hbm>>) dst(%dma_wait3A_785 : memref<128xf32, #tpu.memory_space<vmem>>)
    %dma_wait3A_791 = arith.constant 35 : i32
    %dma_wait3A_792 = arith.constant 35 : i32
    %dma_wait3A_793 = arith.constant 0 : i32
    %dma_wait3A_794 = tpu.memref_slice %arg6[%dma_wait3A_792, %dma_wait3A_793] : memref<44x128xf32, #tpu.memory_space<vmem>> -> memref<1x128xf32, #tpu.memory_space<vmem>>
    %dma_wait3A_795 = tpu.memref_squeeze %dma_wait3A_794 : memref<1x128xf32, #tpu.memory_space<vmem>> -> memref<128xf32, #tpu.memory_space<vmem>>
    %dma_wait3A_796 = arith.constant 0 : i32
    %dma_wait3A_797 = tpu.memref_slice %arg5[%dma_wait3A_791, %dma_wait3A_796] : memref<44x128xi32, #tpu.memory_space<vmem>> -> memref<1x128xi32, #tpu.memory_space<vmem>>
    %dma_wait3A_798 = tpu.memref_squeeze %dma_wait3A_797 : memref<1x128xi32, #tpu.memory_space<vmem>> -> memref<128xi32, #tpu.memory_space<vmem>>
    %dma_wait3A_799 = arith.constant 0 : i32
    %dma_wait3A_800 = tpu.memref_slice %arg3[%dma_wait3A_799] : memref<1024000xf32, #tpu.memory_space<hbm>> -> memref<1024000xf32, #tpu.memory_space<hbm>>
    tpu.wait_indirect_dma semaphore(%arg7 : memref<!tpu.dma_semaphore, #tpu.memory_space<semaphore_mem>>) src(%dma_wait3A_800 : memref<1024000xf32, #tpu.memory_space<hbm>>) dst(%dma_wait3A_795 : memref<128xf32, #tpu.memory_space<vmem>>)
    %dma_wait3A_801 = arith.constant 36 : i32
    %dma_wait3A_802 = arith.constant 36 : i32
    %dma_wait3A_803 = arith.constant 0 : i32
    %dma_wait3A_804 = tpu.memref_slice %arg6[%dma_wait3A_802, %dma_wait3A_803] : memref<44x128xf32, #tpu.memory_space<vmem>> -> memref<1x128xf32, #tpu.memory_space<vmem>>
    %dma_wait3A_805 = tpu.memref_squeeze %dma_wait3A_804 : memref<1x128xf32, #tpu.memory_space<vmem>> -> memref<128xf32, #tpu.memory_space<vmem>>
    %dma_wait3A_806 = arith.constant 0 : i32
    %dma_wait3A_807 = tpu.memref_slice %arg5[%dma_wait3A_801, %dma_wait3A_806] : memref<44x128xi32, #tpu.memory_space<vmem>> -> memref<1x128xi32, #tpu.memory_space<vmem>>
    %dma_wait3A_808 = tpu.memref_squeeze %dma_wait3A_807 : memref<1x128xi32, #tpu.memory_space<vmem>> -> memref<128xi32, #tpu.memory_space<vmem>>
    %dma_wait3A_809 = arith.constant 0 : i32
    %dma_wait3A_810 = tpu.memref_slice %arg3[%dma_wait3A_809] : memref<1024000xf32, #tpu.memory_space<hbm>> -> memref<1024000xf32, #tpu.memory_space<hbm>>
    tpu.wait_indirect_dma semaphore(%arg7 : memref<!tpu.dma_semaphore, #tpu.memory_space<semaphore_mem>>) src(%dma_wait3A_810 : memref<1024000xf32, #tpu.memory_space<hbm>>) dst(%dma_wait3A_805 : memref<128xf32, #tpu.memory_space<vmem>>)
    %dma_wait3A_811 = arith.constant 37 : i32
    %dma_wait3A_812 = arith.constant 37 : i32
    %dma_wait3A_813 = arith.constant 0 : i32
    %dma_wait3A_814 = tpu.memref_slice %arg6[%dma_wait3A_812, %dma_wait3A_813] : memref<44x128xf32, #tpu.memory_space<vmem>> -> memref<1x128xf32, #tpu.memory_space<vmem>>
    %dma_wait3A_815 = tpu.memref_squeeze %dma_wait3A_814 : memref<1x128xf32, #tpu.memory_space<vmem>> -> memref<128xf32, #tpu.memory_space<vmem>>
    %dma_wait3A_816 = arith.constant 0 : i32
    %dma_wait3A_817 = tpu.memref_slice %arg5[%dma_wait3A_811, %dma_wait3A_816] : memref<44x128xi32, #tpu.memory_space<vmem>> -> memref<1x128xi32, #tpu.memory_space<vmem>>
    %dma_wait3A_818 = tpu.memref_squeeze %dma_wait3A_817 : memref<1x128xi32, #tpu.memory_space<vmem>> -> memref<128xi32, #tpu.memory_space<vmem>>
    %dma_wait3A_819 = arith.constant 0 : i32
    %dma_wait3A_820 = tpu.memref_slice %arg3[%dma_wait3A_819] : memref<1024000xf32, #tpu.memory_space<hbm>> -> memref<1024000xf32, #tpu.memory_space<hbm>>
    tpu.wait_indirect_dma semaphore(%arg7 : memref<!tpu.dma_semaphore, #tpu.memory_space<semaphore_mem>>) src(%dma_wait3A_820 : memref<1024000xf32, #tpu.memory_space<hbm>>) dst(%dma_wait3A_815 : memref<128xf32, #tpu.memory_space<vmem>>)
    %dma_wait3A_821 = arith.constant 38 : i32
    %dma_wait3A_822 = arith.constant 38 : i32
    %dma_wait3A_823 = arith.constant 0 : i32
    %dma_wait3A_824 = tpu.memref_slice %arg6[%dma_wait3A_822, %dma_wait3A_823] : memref<44x128xf32, #tpu.memory_space<vmem>> -> memref<1x128xf32, #tpu.memory_space<vmem>>
    %dma_wait3A_825 = tpu.memref_squeeze %dma_wait3A_824 : memref<1x128xf32, #tpu.memory_space<vmem>> -> memref<128xf32, #tpu.memory_space<vmem>>
    %dma_wait3A_826 = arith.constant 0 : i32
    %dma_wait3A_827 = tpu.memref_slice %arg5[%dma_wait3A_821, %dma_wait3A_826] : memref<44x128xi32, #tpu.memory_space<vmem>> -> memref<1x128xi32, #tpu.memory_space<vmem>>
    %dma_wait3A_828 = tpu.memref_squeeze %dma_wait3A_827 : memref<1x128xi32, #tpu.memory_space<vmem>> -> memref<128xi32, #tpu.memory_space<vmem>>
    %dma_wait3A_829 = arith.constant 0 : i32
    %dma_wait3A_830 = tpu.memref_slice %arg3[%dma_wait3A_829] : memref<1024000xf32, #tpu.memory_space<hbm>> -> memref<1024000xf32, #tpu.memory_space<hbm>>
    tpu.wait_indirect_dma semaphore(%arg7 : memref<!tpu.dma_semaphore, #tpu.memory_space<semaphore_mem>>) src(%dma_wait3A_830 : memref<1024000xf32, #tpu.memory_space<hbm>>) dst(%dma_wait3A_825 : memref<128xf32, #tpu.memory_space<vmem>>)
    %dma_wait3A_831 = arith.constant 39 : i32
    %dma_wait3A_832 = arith.constant 39 : i32
    %dma_wait3A_833 = arith.constant 0 : i32
    %dma_wait3A_834 = tpu.memref_slice %arg6[%dma_wait3A_832, %dma_wait3A_833] : memref<44x128xf32, #tpu.memory_space<vmem>> -> memref<1x128xf32, #tpu.memory_space<vmem>>
    %dma_wait3A_835 = tpu.memref_squeeze %dma_wait3A_834 : memref<1x128xf32, #tpu.memory_space<vmem>> -> memref<128xf32, #tpu.memory_space<vmem>>
    %dma_wait3A_836 = arith.constant 0 : i32
    %dma_wait3A_837 = tpu.memref_slice %arg5[%dma_wait3A_831, %dma_wait3A_836] : memref<44x128xi32, #tpu.memory_space<vmem>> -> memref<1x128xi32, #tpu.memory_space<vmem>>
    %dma_wait3A_838 = tpu.memref_squeeze %dma_wait3A_837 : memref<1x128xi32, #tpu.memory_space<vmem>> -> memref<128xi32, #tpu.memory_space<vmem>>
    %dma_wait3A_839 = arith.constant 0 : i32
    %dma_wait3A_840 = tpu.memref_slice %arg3[%dma_wait3A_839] : memref<1024000xf32, #tpu.memory_space<hbm>> -> memref<1024000xf32, #tpu.memory_space<hbm>>
    tpu.wait_indirect_dma semaphore(%arg7 : memref<!tpu.dma_semaphore, #tpu.memory_space<semaphore_mem>>) src(%dma_wait3A_840 : memref<1024000xf32, #tpu.memory_space<hbm>>) dst(%dma_wait3A_835 : memref<128xf32, #tpu.memory_space<vmem>>)
    %dma_wait3A_841 = arith.constant 40 : i32
    %dma_wait3A_842 = arith.constant 40 : i32
    %dma_wait3A_843 = arith.constant 0 : i32
    %dma_wait3A_844 = tpu.memref_slice %arg6[%dma_wait3A_842, %dma_wait3A_843] : memref<44x128xf32, #tpu.memory_space<vmem>> -> memref<1x128xf32, #tpu.memory_space<vmem>>
    %dma_wait3A_845 = tpu.memref_squeeze %dma_wait3A_844 : memref<1x128xf32, #tpu.memory_space<vmem>> -> memref<128xf32, #tpu.memory_space<vmem>>
    %dma_wait3A_846 = arith.constant 0 : i32
    %dma_wait3A_847 = tpu.memref_slice %arg5[%dma_wait3A_841, %dma_wait3A_846] : memref<44x128xi32, #tpu.memory_space<vmem>> -> memref<1x128xi32, #tpu.memory_space<vmem>>
    %dma_wait3A_848 = tpu.memref_squeeze %dma_wait3A_847 : memref<1x128xi32, #tpu.memory_space<vmem>> -> memref<128xi32, #tpu.memory_space<vmem>>
    %dma_wait3A_849 = arith.constant 0 : i32
    %dma_wait3A_850 = tpu.memref_slice %arg3[%dma_wait3A_849] : memref<1024000xf32, #tpu.memory_space<hbm>> -> memref<1024000xf32, #tpu.memory_space<hbm>>
    tpu.wait_indirect_dma semaphore(%arg7 : memref<!tpu.dma_semaphore, #tpu.memory_space<semaphore_mem>>) src(%dma_wait3A_850 : memref<1024000xf32, #tpu.memory_space<hbm>>) dst(%dma_wait3A_845 : memref<128xf32, #tpu.memory_space<vmem>>)
    %dma_wait3A_851 = arith.constant 41 : i32
    %dma_wait3A_852 = arith.constant 41 : i32
    %dma_wait3A_853 = arith.constant 0 : i32
    %dma_wait3A_854 = tpu.memref_slice %arg6[%dma_wait3A_852, %dma_wait3A_853] : memref<44x128xf32, #tpu.memory_space<vmem>> -> memref<1x128xf32, #tpu.memory_space<vmem>>
    %dma_wait3A_855 = tpu.memref_squeeze %dma_wait3A_854 : memref<1x128xf32, #tpu.memory_space<vmem>> -> memref<128xf32, #tpu.memory_space<vmem>>
    %dma_wait3A_856 = arith.constant 0 : i32
    %dma_wait3A_857 = tpu.memref_slice %arg5[%dma_wait3A_851, %dma_wait3A_856] : memref<44x128xi32, #tpu.memory_space<vmem>> -> memref<1x128xi32, #tpu.memory_space<vmem>>
    %dma_wait3A_858 = tpu.memref_squeeze %dma_wait3A_857 : memref<1x128xi32, #tpu.memory_space<vmem>> -> memref<128xi32, #tpu.memory_space<vmem>>
    %dma_wait3A_859 = arith.constant 0 : i32
    %dma_wait3A_860 = tpu.memref_slice %arg3[%dma_wait3A_859] : memref<1024000xf32, #tpu.memory_space<hbm>> -> memref<1024000xf32, #tpu.memory_space<hbm>>
    tpu.wait_indirect_dma semaphore(%arg7 : memref<!tpu.dma_semaphore, #tpu.memory_space<semaphore_mem>>) src(%dma_wait3A_860 : memref<1024000xf32, #tpu.memory_space<hbm>>) dst(%dma_wait3A_855 : memref<128xf32, #tpu.memory_space<vmem>>)
    %dma_wait3A_861 = arith.constant 42 : i32
    %dma_wait3A_862 = arith.constant 42 : i32
    %dma_wait3A_863 = arith.constant 0 : i32
    %dma_wait3A_864 = tpu.memref_slice %arg6[%dma_wait3A_862, %dma_wait3A_863] : memref<44x128xf32, #tpu.memory_space<vmem>> -> memref<1x128xf32, #tpu.memory_space<vmem>>
    %dma_wait3A_865 = tpu.memref_squeeze %dma_wait3A_864 : memref<1x128xf32, #tpu.memory_space<vmem>> -> memref<128xf32, #tpu.memory_space<vmem>>
    %dma_wait3A_866 = arith.constant 0 : i32
    %dma_wait3A_867 = tpu.memref_slice %arg5[%dma_wait3A_861, %dma_wait3A_866] : memref<44x128xi32, #tpu.memory_space<vmem>> -> memref<1x128xi32, #tpu.memory_space<vmem>>
    %dma_wait3A_868 = tpu.memref_squeeze %dma_wait3A_867 : memref<1x128xi32, #tpu.memory_space<vmem>> -> memref<128xi32, #tpu.memory_space<vmem>>
    %dma_wait3A_869 = arith.constant 0 : i32
    %dma_wait3A_870 = tpu.memref_slice %arg3[%dma_wait3A_869] : memref<1024000xf32, #tpu.memory_space<hbm>> -> memref<1024000xf32, #tpu.memory_space<hbm>>
    tpu.wait_indirect_dma semaphore(%arg7 : memref<!tpu.dma_semaphore, #tpu.memory_space<semaphore_mem>>) src(%dma_wait3A_870 : memref<1024000xf32, #tpu.memory_space<hbm>>) dst(%dma_wait3A_865 : memref<128xf32, #tpu.memory_space<vmem>>)
    %dma_wait3A_871 = arith.constant 43 : i32
    %dma_wait3A_872 = arith.constant 43 : i32
    %dma_wait3A_873 = arith.constant 0 : i32
    %dma_wait3A_874 = tpu.memref_slice %arg6[%dma_wait3A_872, %dma_wait3A_873] : memref<44x128xf32, #tpu.memory_space<vmem>> -> memref<1x128xf32, #tpu.memory_space<vmem>>
    %dma_wait3A_875 = tpu.memref_squeeze %dma_wait3A_874 : memref<1x128xf32, #tpu.memory_space<vmem>> -> memref<128xf32, #tpu.memory_space<vmem>>
    %dma_wait3A_876 = arith.constant 0 : i32
    %dma_wait3A_877 = tpu.memref_slice %arg5[%dma_wait3A_871, %dma_wait3A_876] : memref<44x128xi32, #tpu.memory_space<vmem>> -> memref<1x128xi32, #tpu.memory_space<vmem>>
    %dma_wait3A_878 = tpu.memref_squeeze %dma_wait3A_877 : memref<1x128xi32, #tpu.memory_space<vmem>> -> memref<128xi32, #tpu.memory_space<vmem>>
    %dma_wait3A_879 = arith.constant 0 : i32
    %dma_wait3A_880 = tpu.memref_slice %arg3[%dma_wait3A_879] : memref<1024000xf32, #tpu.memory_space<hbm>> -> memref<1024000xf32, #tpu.memory_space<hbm>>
    tpu.wait_indirect_dma semaphore(%arg7 : memref<!tpu.dma_semaphore, #tpu.memory_space<semaphore_mem>>) src(%dma_wait3A_880 : memref<1024000xf32, #tpu.memory_space<hbm>>) dst(%dma_wait3A_875 : memref<128xf32, #tpu.memory_space<vmem>>)
    "tpu.region"() ({
      %run_scoped3A = tpu.sem_alloc : memref<!tpu.dma_semaphore, #tpu.memory_space<semaphore_mem>>
      %dma_start3A_881 = arith.constant 0 : i32
      %dma_start3A_882 = tpu.memref_slice %arg4[%mul3A_2, %dma_start3A_881] : memref<1408x128xf32, #tpu.memory_space<hbm>> -> memref<44x128xf32, #tpu.memory_space<hbm>>
      %dma_start3A_883 = arith.constant 0 : i32
      %dma_start3A_884 = tpu.memref_slice %arg4[%mul3A_2, %dma_start3A_883] : memref<1408x128xf32, #tpu.memory_space<hbm>> -> memref<44x128xf32, #tpu.memory_space<hbm>>
      tpu.enqueue_dma source(%arg6 : memref<44x128xf32, #tpu.memory_space<vmem>>) target(%dma_start3A_884 : memref<44x128xf32, #tpu.memory_space<hbm>>) target_semaphore(%run_scoped3A : memref<!tpu.dma_semaphore, #tpu.memory_space<semaphore_mem>>)
      %dma_wait3A_885 = arith.constant 0 : i32
      %dma_wait3A_886 = tpu.memref_slice %arg4[%mul3A_2, %dma_wait3A_885] : memref<1408x128xf32, #tpu.memory_space<hbm>> -> memref<44x128xf32, #tpu.memory_space<hbm>>
      %dma_wait3A_887 = arith.constant 0 : i32
      %dma_wait3A_888 = tpu.memref_slice %arg4[%mul3A_2, %dma_wait3A_887] : memref<1408x128xf32, #tpu.memory_space<hbm>> -> memref<44x128xf32, #tpu.memory_space<hbm>>
      tpu.wait_dma2 semaphore(%run_scoped3A : memref<!tpu.dma_semaphore, #tpu.memory_space<semaphore_mem>>) src(%arg6 : memref<44x128xf32, #tpu.memory_space<vmem>>) dst(%dma_wait3A_888 : memref<44x128xf32, #tpu.memory_space<hbm>>)
      tpu.yield
    }) : () -> ()
    return
  }
}

module attributes {stable_mosaic.version = 14 : i64} {
  func.func @_softmax_body(%arg0: memref<1408x128xf32, #tpu.memory_space<vmem>>, %arg1: memref<1x1xf32, #tpu.memory_space<smem>>) attributes {dimension_semantics = [], scalar_prefetch = 0 : i64, scratch_operands = 0 : i64, tpu.core_type = #tpu.core_type<tc>} {
    %get3A = arith.constant 0 : index
    %get3A_0 = arith.constant 0 : index
    %get3A_1 = vector.load %arg0[%get3A, %get3A_0] : memref<1408x128xf32, #tpu.memory_space<vmem>>, vector<1408x128xf32>
    %slice3A = vector.extract_strided_slice %get3A_1 {offsets = [0, 0], sizes = [128, 128], strides = [1, 1]} : vector<1408x128xf32> to vector<128x128xf32>
    %slice3A_2 = vector.extract_strided_slice %get3A_1 {offsets = [128, 0], sizes = [128, 128], strides = [1, 1]} : vector<1408x128xf32> to vector<128x128xf32>
    %slice3A_3 = vector.extract_strided_slice %get3A_1 {offsets = [256, 0], sizes = [128, 128], strides = [1, 1]} : vector<1408x128xf32> to vector<128x128xf32>
    %slice3A_4 = vector.extract_strided_slice %get3A_1 {offsets = [384, 0], sizes = [128, 128], strides = [1, 1]} : vector<1408x128xf32> to vector<128x128xf32>
    %slice3A_5 = vector.extract_strided_slice %get3A_1 {offsets = [512, 0], sizes = [128, 128], strides = [1, 1]} : vector<1408x128xf32> to vector<128x128xf32>
    %slice3A_6 = vector.extract_strided_slice %get3A_1 {offsets = [640, 0], sizes = [128, 128], strides = [1, 1]} : vector<1408x128xf32> to vector<128x128xf32>
    %slice3A_7 = vector.extract_strided_slice %get3A_1 {offsets = [768, 0], sizes = [128, 128], strides = [1, 1]} : vector<1408x128xf32> to vector<128x128xf32>
    %slice3A_8 = vector.extract_strided_slice %get3A_1 {offsets = [896, 0], sizes = [128, 128], strides = [1, 1]} : vector<1408x128xf32> to vector<128x128xf32>
    %slice3A_9 = vector.extract_strided_slice %get3A_1 {offsets = [1024, 0], sizes = [128, 128], strides = [1, 1]} : vector<1408x128xf32> to vector<128x128xf32>
    %slice3A_10 = vector.extract_strided_slice %get3A_1 {offsets = [1152, 0], sizes = [128, 128], strides = [1, 1]} : vector<1408x128xf32> to vector<128x128xf32>
    %slice3A_11 = vector.extract_strided_slice %get3A_1 {offsets = [1280, 0], sizes = [128, 128], strides = [1, 1]} : vector<1408x128xf32> to vector<128x128xf32>
    %max3A = arith.maximumf %slice3A, %slice3A_2 : vector<128x128xf32>
    %max3A_12 = arith.maximumf %max3A, %slice3A_3 : vector<128x128xf32>
    %max3A_13 = arith.maximumf %max3A_12, %slice3A_4 : vector<128x128xf32>
    %max3A_14 = arith.maximumf %max3A_13, %slice3A_5 : vector<128x128xf32>
    %max3A_15 = arith.maximumf %max3A_14, %slice3A_6 : vector<128x128xf32>
    %max3A_16 = arith.maximumf %max3A_15, %slice3A_7 : vector<128x128xf32>
    %max3A_17 = arith.maximumf %max3A_16, %slice3A_8 : vector<128x128xf32>
    %max3A_18 = arith.maximumf %max3A_17, %slice3A_9 : vector<128x128xf32>
    %max3A_19 = arith.maximumf %max3A_18, %slice3A_10 : vector<128x128xf32>
    %max3A_20 = arith.maximumf %max3A_19, %slice3A_11 : vector<128x128xf32>
    %broadcast_in_dim3A = arith.constant 0.000000e+00 : f32
    %broadcast_in_dim3A_21 = vector.broadcast %broadcast_in_dim3A : f32 to vector<128x128xf32>
    %sub3A = arith.subf %slice3A, %max3A_20 : vector<128x128xf32>
    %exp3A = math.exp %sub3A : vector<128x128xf32>
    %add3A = arith.addf %broadcast_in_dim3A_21, %exp3A : vector<128x128xf32>
    %sub3A_22 = arith.subf %slice3A_2, %max3A_20 : vector<128x128xf32>
    %exp3A_23 = math.exp %sub3A_22 : vector<128x128xf32>
    %add3A_24 = arith.addf %add3A, %exp3A_23 : vector<128x128xf32>
    %sub3A_25 = arith.subf %slice3A_3, %max3A_20 : vector<128x128xf32>
    %exp3A_26 = math.exp %sub3A_25 : vector<128x128xf32>
    %add3A_27 = arith.addf %add3A_24, %exp3A_26 : vector<128x128xf32>
    %sub3A_28 = arith.subf %slice3A_4, %max3A_20 : vector<128x128xf32>
    %exp3A_29 = math.exp %sub3A_28 : vector<128x128xf32>
    %add3A_30 = arith.addf %add3A_27, %exp3A_29 : vector<128x128xf32>
    %sub3A_31 = arith.subf %slice3A_5, %max3A_20 : vector<128x128xf32>
    %exp3A_32 = math.exp %sub3A_31 : vector<128x128xf32>
    %add3A_33 = arith.addf %add3A_30, %exp3A_32 : vector<128x128xf32>
    %sub3A_34 = arith.subf %slice3A_6, %max3A_20 : vector<128x128xf32>
    %exp3A_35 = math.exp %sub3A_34 : vector<128x128xf32>
    %add3A_36 = arith.addf %add3A_33, %exp3A_35 : vector<128x128xf32>
    %sub3A_37 = arith.subf %slice3A_7, %max3A_20 : vector<128x128xf32>
    %exp3A_38 = math.exp %sub3A_37 : vector<128x128xf32>
    %add3A_39 = arith.addf %add3A_36, %exp3A_38 : vector<128x128xf32>
    %sub3A_40 = arith.subf %slice3A_8, %max3A_20 : vector<128x128xf32>
    %exp3A_41 = math.exp %sub3A_40 : vector<128x128xf32>
    %add3A_42 = arith.addf %add3A_39, %exp3A_41 : vector<128x128xf32>
    %sub3A_43 = arith.subf %slice3A_9, %max3A_20 : vector<128x128xf32>
    %exp3A_44 = math.exp %sub3A_43 : vector<128x128xf32>
    %add3A_45 = arith.addf %add3A_42, %exp3A_44 : vector<128x128xf32>
    %sub3A_46 = arith.subf %slice3A_10, %max3A_20 : vector<128x128xf32>
    %exp3A_47 = math.exp %sub3A_46 : vector<128x128xf32>
    %add3A_48 = arith.addf %add3A_45, %exp3A_47 : vector<128x128xf32>
    %sub3A_49 = arith.subf %slice3A_11, %max3A_20 : vector<128x128xf32>
    %exp3A_50 = math.exp %sub3A_49 : vector<128x128xf32>
    %add3A_51 = arith.addf %add3A_48, %exp3A_50 : vector<128x128xf32>
    %log3A = math.log %add3A_51 : vector<128x128xf32>
    %add3A_52 = arith.addf %max3A_20, %log3A : vector<128x128xf32>
    %sub3A_53 = arith.subf %add3A_52, %slice3A : vector<128x128xf32>
    %reduce_sum3A = vector.shape_cast %sub3A_53 : vector<128x128xf32> to vector<1x128x128xf32>
    %reduce_sum3A_54 = arith.constant dense<0.000000e+00> : vector<1xf32>
    %reduce_sum3A_55 = vector.multi_reduction <add>, %reduce_sum3A, %reduce_sum3A_54 [1, 2] : vector<1x128x128xf32> to vector<1xf32>
    %reduce_sum3A_56 = vector.shape_cast %reduce_sum3A_55 : vector<1xf32> to vector<1x1x1xf32>
    %reduce_sum3A_57 = vector.extract %reduce_sum3A_56[0, 0, 0] : f32 from vector<1x1x1xf32>
    %div3A = arith.constant 1.638400e+04 : f32
    %div3A_58 = arith.divf %reduce_sum3A_57, %div3A : f32
    %swap3A = arith.constant 0 : index
    %swap3A_59 = arith.constant 0 : index
    %swap3A_60 = memref.load %arg1[%swap3A, %swap3A_59] : memref<1x1xf32, #tpu.memory_space<smem>>
    memref.store %div3A_58, %arg1[%swap3A, %swap3A_59] : memref<1x1xf32, #tpu.memory_space<smem>>
    return
  }
}

module attributes {stable_mosaic.version = 14 : i64} {
  func.func @_prep_body(%arg0: memref<64x1000xf32, #tpu.memory_space<vmem>>, %arg1: memref<64x1000xf32, #tpu.memory_space<vmem>>, %arg2: memref<16384xi32, #tpu.memory_space<vmem>>, %arg3: memref<11x16384xi32, #tpu.memory_space<vmem>>, %arg4: memref<8000x128xf32, #tpu.memory_space<vmem>>, %arg5: memref<1408x128xi32, #tpu.memory_space<vmem>>) attributes {dimension_semantics = [], scalar_prefetch = 0 : i64, scratch_operands = 0 : i64, tpu.core_type = #tpu.core_type<tc>} {
    %get3A = arith.constant 0 : index
    %get3A_0 = arith.constant 0 : index
    %get3A_1 = vector.load %arg0[%get3A, %get3A_0] : memref<64x1000xf32, #tpu.memory_space<vmem>>, vector<64x1000xf32>
    %get3A_2 = arith.constant 0 : index
    %get3A_3 = arith.constant 0 : index
    %get3A_4 = vector.load %arg1[%get3A_2, %get3A_3] : memref<64x1000xf32, #tpu.memory_space<vmem>>, vector<64x128xf32>
    %dot_general3A = arith.constant dense<0.000000e+00> : vector<1000x128xf32>
    %dot_general3A_5 = tpu.matmul %get3A_1, %get3A_4, %dot_general3A {dimension_numbers = #tpu.dot_dimension_numbers<[0], [0], [1], [1], [0, 1, 1, 1], [], []>, transpose_lhs_hint = false} : vector<64x1000xf32>, vector<64x128xf32>, vector<1000x128xf32> -> vector<1000x128xf32>
    %swap3A = arith.constant 0 : index
    %swap3A_6 = arith.constant 0 : index
    %swap3A_7 = vector.load %arg4[%swap3A, %swap3A_6] : memref<8000x128xf32, #tpu.memory_space<vmem>>, vector<1000x128xf32>
    tpu.vector_store %arg4[%swap3A, %swap3A_6], %dot_general3A_5 {strides = array<i32>} : memref<8000x128xf32, #tpu.memory_space<vmem>>, vector<1000x128xf32>,
    %get3A_8 = arith.constant 0 : index
    %get3A_9 = arith.constant 128 : index
    %get3A_10 = vector.load %arg1[%get3A_8, %get3A_9] : memref<64x1000xf32, #tpu.memory_space<vmem>>, vector<64x128xf32>
    %dot_general3A_11 = arith.constant dense<0.000000e+00> : vector<1000x128xf32>
    %dot_general3A_12 = tpu.matmul %get3A_1, %get3A_10, %dot_general3A_11 {dimension_numbers = #tpu.dot_dimension_numbers<[0], [0], [1], [1], [0, 1, 1, 1], [], []>, transpose_lhs_hint = false} : vector<64x1000xf32>, vector<64x128xf32>, vector<1000x128xf32> -> vector<1000x128xf32>
    %swap3A_13 = arith.constant 1000 : index
    %swap3A_14 = arith.constant 0 : index
    %swap3A_15 = vector.load %arg4[%swap3A_13, %swap3A_14] : memref<8000x128xf32, #tpu.memory_space<vmem>>, vector<1000x128xf32>
    tpu.vector_store %arg4[%swap3A_13, %swap3A_14], %dot_general3A_12 {strides = array<i32>} : memref<8000x128xf32, #tpu.memory_space<vmem>>, vector<1000x128xf32>,
    %get3A_16 = arith.constant 0 : index
    %get3A_17 = arith.constant 256 : index
    %get3A_18 = vector.load %arg1[%get3A_16, %get3A_17] : memref<64x1000xf32, #tpu.memory_space<vmem>>, vector<64x128xf32>
    %dot_general3A_19 = arith.constant dense<0.000000e+00> : vector<1000x128xf32>
    %dot_general3A_20 = tpu.matmul %get3A_1, %get3A_18, %dot_general3A_19 {dimension_numbers = #tpu.dot_dimension_numbers<[0], [0], [1], [1], [0, 1, 1, 1], [], []>, transpose_lhs_hint = false} : vector<64x1000xf32>, vector<64x128xf32>, vector<1000x128xf32> -> vector<1000x128xf32>
    %swap3A_21 = arith.constant 2000 : index
    %swap3A_22 = arith.constant 0 : index
    %swap3A_23 = vector.load %arg4[%swap3A_21, %swap3A_22] : memref<8000x128xf32, #tpu.memory_space<vmem>>, vector<1000x128xf32>
    tpu.vector_store %arg4[%swap3A_21, %swap3A_22], %dot_general3A_20 {strides = array<i32>} : memref<8000x128xf32, #tpu.memory_space<vmem>>, vector<1000x128xf32>,
    %get3A_24 = arith.constant 0 : index
    %get3A_25 = arith.constant 384 : index
    %get3A_26 = vector.load %arg1[%get3A_24, %get3A_25] : memref<64x1000xf32, #tpu.memory_space<vmem>>, vector<64x128xf32>
    %dot_general3A_27 = arith.constant dense<0.000000e+00> : vector<1000x128xf32>
    %dot_general3A_28 = tpu.matmul %get3A_1, %get3A_26, %dot_general3A_27 {dimension_numbers = #tpu.dot_dimension_numbers<[0], [0], [1], [1], [0, 1, 1, 1], [], []>, transpose_lhs_hint = false} : vector<64x1000xf32>, vector<64x128xf32>, vector<1000x128xf32> -> vector<1000x128xf32>
    %swap3A_29 = arith.constant 3000 : index
    %swap3A_30 = arith.constant 0 : index
    %swap3A_31 = vector.load %arg4[%swap3A_29, %swap3A_30] : memref<8000x128xf32, #tpu.memory_space<vmem>>, vector<1000x128xf32>
    tpu.vector_store %arg4[%swap3A_29, %swap3A_30], %dot_general3A_28 {strides = array<i32>} : memref<8000x128xf32, #tpu.memory_space<vmem>>, vector<1000x128xf32>,
    %get3A_32 = arith.constant 0 : index
    %get3A_33 = arith.constant 512 : index
    %get3A_34 = vector.load %arg1[%get3A_32, %get3A_33] : memref<64x1000xf32, #tpu.memory_space<vmem>>, vector<64x128xf32>
    %dot_general3A_35 = arith.constant dense<0.000000e+00> : vector<1000x128xf32>
    %dot_general3A_36 = tpu.matmul %get3A_1, %get3A_34, %dot_general3A_35 {dimension_numbers = #tpu.dot_dimension_numbers<[0], [0], [1], [1], [0, 1, 1, 1], [], []>, transpose_lhs_hint = false} : vector<64x1000xf32>, vector<64x128xf32>, vector<1000x128xf32> -> vector<1000x128xf32>
    %swap3A_37 = arith.constant 4000 : index
    %swap3A_38 = arith.constant 0 : index
    %swap3A_39 = vector.load %arg4[%swap3A_37, %swap3A_38] : memref<8000x128xf32, #tpu.memory_space<vmem>>, vector<1000x128xf32>
    tpu.vector_store %arg4[%swap3A_37, %swap3A_38], %dot_general3A_36 {strides = array<i32>} : memref<8000x128xf32, #tpu.memory_space<vmem>>, vector<1000x128xf32>,
    %get3A_40 = arith.constant 0 : index
    %get3A_41 = arith.constant 640 : index
    %get3A_42 = vector.load %arg1[%get3A_40, %get3A_41] : memref<64x1000xf32, #tpu.memory_space<vmem>>, vector<64x128xf32>
    %dot_general3A_43 = arith.constant dense<0.000000e+00> : vector<1000x128xf32>
    %dot_general3A_44 = tpu.matmul %get3A_1, %get3A_42, %dot_general3A_43 {dimension_numbers = #tpu.dot_dimension_numbers<[0], [0], [1], [1], [0, 1, 1, 1], [], []>, transpose_lhs_hint = false} : vector<64x1000xf32>, vector<64x128xf32>, vector<1000x128xf32> -> vector<1000x128xf32>
    %swap3A_45 = arith.constant 5000 : index
    %swap3A_46 = arith.constant 0 : index
    %swap3A_47 = vector.load %arg4[%swap3A_45, %swap3A_46] : memref<8000x128xf32, #tpu.memory_space<vmem>>, vector<1000x128xf32>
    tpu.vector_store %arg4[%swap3A_45, %swap3A_46], %dot_general3A_44 {strides = array<i32>} : memref<8000x128xf32, #tpu.memory_space<vmem>>, vector<1000x128xf32>,
    %get3A_48 = arith.constant 0 : index
    %get3A_49 = arith.constant 768 : index
    %get3A_50 = vector.load %arg1[%get3A_48, %get3A_49] : memref<64x1000xf32, #tpu.memory_space<vmem>>, vector<64x128xf32>
    %dot_general3A_51 = arith.constant dense<0.000000e+00> : vector<1000x128xf32>
    %dot_general3A_52 = tpu.matmul %get3A_1, %get3A_50, %dot_general3A_51 {dimension_numbers = #tpu.dot_dimension_numbers<[0], [0], [1], [1], [0, 1, 1, 1], [], []>, transpose_lhs_hint = false} : vector<64x1000xf32>, vector<64x128xf32>, vector<1000x128xf32> -> vector<1000x128xf32>
    %swap3A_53 = arith.constant 6000 : index
    %swap3A_54 = arith.constant 0 : index
    %swap3A_55 = vector.load %arg4[%swap3A_53, %swap3A_54] : memref<8000x128xf32, #tpu.memory_space<vmem>>, vector<1000x128xf32>
    tpu.vector_store %arg4[%swap3A_53, %swap3A_54], %dot_general3A_52 {strides = array<i32>} : memref<8000x128xf32, #tpu.memory_space<vmem>>, vector<1000x128xf32>,
    %get3A_56 = arith.constant 0 : index
    %get3A_57 = arith.constant 896 : index
    %get3A_58 = vector.load %arg1[%get3A_56, %get3A_57] : memref<64x1000xf32, #tpu.memory_space<vmem>>, vector<64x104xf32>
    %dot_general3A_59 = arith.constant dense<0.000000e+00> : vector<1000x104xf32>
    %dot_general3A_60 = tpu.matmul %get3A_1, %get3A_58, %dot_general3A_59 {dimension_numbers = #tpu.dot_dimension_numbers<[0], [0], [1], [1], [0, 1, 1, 1], [], []>, transpose_lhs_hint = false} : vector<64x1000xf32>, vector<64x104xf32>, vector<1000x104xf32> -> vector<1000x104xf32>
    %broadcast_in_dim3A = arith.constant 0.000000e+00 : f32
    %broadcast_in_dim3A_61 = vector.broadcast %broadcast_in_dim3A : f32 to vector<1000x24xf32>
    %concatenate3A = tpu.concatenate %dot_general3A_60, %broadcast_in_dim3A_61 in 1 : vector<1000x104xf32>, vector<1000x24xf32> -> vector<1000x128xf32>
    %swap3A_62 = arith.constant 7000 : index
    %swap3A_63 = arith.constant 0 : index
    %swap3A_64 = vector.load %arg4[%swap3A_62, %swap3A_63] : memref<8000x128xf32, #tpu.memory_space<vmem>>, vector<1000x128xf32>
    tpu.vector_store %arg4[%swap3A_62, %swap3A_63], %concatenate3A {strides = array<i32>} : memref<8000x128xf32, #tpu.memory_space<vmem>>, vector<1000x128xf32>,
    %get3A_65 = arith.constant 0 : index
    %get3A_66 = arith.constant 0 : index
    %get3A_67 = vector.load %arg3[%get3A_65, %get3A_66] : memref<11x16384xi32, #tpu.memory_space<vmem>>, vector<11x16384xi32>
    %get3A_68 = arith.constant 0 : index
    %get3A_69 = vector.load %arg2[%get3A_68] : memref<16384xi32, #tpu.memory_space<vmem>>, vector<16384xi32>
    %shift_right_arithmetic3A = arith.constant 7 : i32
    %shift_right_arithmetic3A_70 = vector.broadcast %shift_right_arithmetic3A : i32 to vector<11x16384xi32>
    %shift_right_arithmetic3A_71 = arith.shrsi %get3A_67, %shift_right_arithmetic3A_70 : vector<11x16384xi32>
    %mul3A = arith.constant 128000 : i32
    %mul3A_72 = vector.broadcast %mul3A : i32 to vector<11x16384xi32>
    %mul3A_73 = arith.muli %shift_right_arithmetic3A_71, %mul3A_72 : vector<11x16384xi32>
    %broadcast_in_dim3A_74 = vector.shape_cast %get3A_69 : vector<16384xi32> to vector<1x16384xi32>
    %mul3A_75 = arith.constant 128 : i32
    %mul3A_76 = vector.broadcast %mul3A_75 : i32 to vector<1x16384xi32>
    %mul3A_77 = arith.muli %broadcast_in_dim3A_74, %mul3A_76 : vector<1x16384xi32>
    %add3A = vector.broadcast %mul3A_77 : vector<1x16384xi32> to vector<11x16384xi32>
    %add3A_78 = arith.addi %mul3A_73, %add3A : vector<11x16384xi32>
    %and3A = arith.constant 127 : i32
    %and3A_79 = vector.broadcast %and3A : i32 to vector<11x16384xi32>
    %and3A_80 = arith.andi %get3A_67, %and3A_79 : vector<11x16384xi32>
    %add3A_81 = arith.addi %add3A_78, %and3A_80 : vector<11x16384xi32>
    %reshape3A = vector.shape_cast %add3A_81 : vector<11x16384xi32> to vector<1408x128xi32>
    %swap3A_82 = arith.constant 0 : index
    %swap3A_83 = arith.constant 0 : index
    %swap3A_84 = vector.load %arg5[%swap3A_82, %swap3A_83] : memref<1408x128xi32, #tpu.memory_space<vmem>>, vector<1408x128xi32>
    tpu.vector_store %arg5[%swap3A_82, %swap3A_83], %reshape3A {strides = array<i32>} : memref<1408x128xi32, #tpu.memory_space<vmem>>, vector<1408x128xi32>,
    return
  }
}

</mosaic_0001>

<sc_bundles>
// kernel: kernel.5.cloned.1.call-start
scs
__scs_entry_jumppad:
0x0: {  	(pc) =	sbr.rel $0x88, $3  }
0x1: {  	(tag) =	ssettag $0x0;
	lr =	simm.s32 $0x1  }
0x2: {  	[smem:$0x3F9D] =	sst lr;
	_ =	strace $0xD0000000  }
0x3: {  	_ = 	snop  }
0x4: {  	_ = 	snop  }
0x5: {  	_ = 	snop  }
0x6: {  	_ = 	snop  }
0x7: {  	_ = 	snop  }
__scs_overlays_trampoline_lowered:
0x8: {  	[smem:$0x3FAC] =	sst s0  }
0x9: {  	[smem:$0x3FAD] =	sst s1  }
0xa: {  	[smem:$0x3FAE] =	sst s2  }
0xb: {  	[smem:$0x3FAF] =	sst s3  }
0xc: {  	[smem:$0x3FB0] =	sst s4  }
0xd: {  	[smem:$0x3FB1] =	sst s5  }
0xe: {  	[smem:$0x3FB2] =	sst s6  }
0xf: {  	[smem:$0x3FB3] =	sst s7  }
0x10: {  	[smem:$0x3FB4] =	sst s8  }
0x11: {  	[smem:$0x3FB5] =	sst s9;
	s0 =	simm.s32 @!p0 $0x0  }
0x12: {  	s1 =	sld [smem:$0x3F9B];
	s0 =	simm.s32 @p0 $0x1  }
0x13: {  	[smem:$0x3FB6] =	sst s0;
	s0 =	simm.s32 @!p1 $0x0  }
0x14: {  	s2 =	sld [smem:$0x3F9A];
	s0 =	simm.s32 @p1 $0x1  }
0x15: {  	[smem:$0x3FB7] =	sst s0;
	s0 =	simm.s32 @!p2 $0x0  }
0x16: {  	s3 =	sld [smem:$0x3FDB];
	s0 =	simm.s32 @p2 $0x1  }
0x17: {  	s4 =	simm.s32 $0x1BF5;
	[smem:$0x3FB9] =	sst s0  }
0x18: {  	s0 =	sld [smem:$0x3F9C];
	_ =	swait.ge [sflag:s4], $0x0  }
0x19: {  	s7 =	sld [smem:$0x3F9D]  }
0x1a: {  	s8 =	sadd.s32 $0xFFFFE003, lr  }
0x1b: {  	s9 =	sadd.s32 $0xFFFFFEF7, lr;
	s5 =	simm.s32 $0xFFFFFFFF;
	p2 =	slt.u32 s8, $0xFFFFF086  }
0x1c: {  	p1 =	slt.u32 s9, $0xF7A;
	s5 =	simm.s32 @!p2 $0x0  }
0x1d: {  	s5 =	simm.s32 @p1 $0x1;
	p0 =	seq.s32 s7, s2  }
0x1e: {  	s7 =	smul.u32 @!p0 $0xF7A, s2;
	p2 =	seq.s32 @!p0 s5, $0x0  }
0x1f: {  	s9 =	smul.u32 $0xF7A, s1;
	s8 =	simm.s32 @!p0 $0x1BF5;
	p2 =	por !p2, p0  }
0x20: {  	[sflag:s8] =	ssyncset.s32 @!p0 $0xFFFFF086;
	s6 =	sadd.s32 @!p0 s3, s7;
	s7 =	simm.s32 @!p0 $0x108  }
0x21: {  	s3 =	sadd.s32 s3, s9;
	s6 =	sadd.s32 @!p0 $0x88, s6;
	s7 =	simm.s32 @p2 $0x1082  }
0x22: {  	[simem:s7], [sflag:s8] =	dma.local @!p0 [hbm:s6], $0xF7A  }
0x23: {  	s9 =	sor.u32 $0xD0000000, s2;
	s6 =	simm.s32 $0x108;
	_ =	swait.ge @!p0 [sflag:s8], $0x0  }
0x24: {  	s3 =	sadd.s32 $0x88, s3;
	s6 =	simm.s32 @!p1 $0x1082;
	[sflag:s4] =	ssyncset.s32 $0xFFFFF086  }
0x25: {  	[simem:s6], [sflag:s4] =	dma.local [hbm:s3], $0xF7A  }
0x26: {  	[smem:$0x3F9D] =	sst s1;
	(tag) =	ssettag s2;
	_ =	strace s9  }
0x27: {  	s1 =	sld [smem:$0x3FAD]  }
0x28: {  	s2 =	sld [smem:$0x3FAE]  }
0x29: {  	s4 =	sld [smem:$0x3FB0]  }
0x2a: {  	p0 =	seq.s32 s5, $0x0;
	s5 =	sld [smem:$0x3FB1]  }
0x2b: {  	s6 =	sld [smem:$0x3FB2]  }
0x2c: {  	s7 =	sld [smem:$0x3FB3]  }
0x2d: {  	s3 =	simm.s32 $0x108;
	s8 =	sld [smem:$0x3FB4]  }
0x2e: {  	s3 =	simm.s32 @!p0 $0x1082;
	s9 =	sld [smem:$0x3FB5]  }
0x2f: {  	lr =	sadd.s32 s0, s3;
	s0 =	sld [smem:$0x3FAC]  }
0x30: {  	s3 =	sld [smem:$0x3FAF]  }
0x31: {  	[smem:$0x3FB8] =	sst s10  }
0x32: {  	s10 =	sld [smem:$0x3FB6];
	_ =	sdelay $0x3  }
0x33: {  	p0 =	seq.s32 s10, $0x1;
	s10 =	sld [smem:$0x3FB8];
	_ =	sdelay $0x3  }
0x34: {  	[smem:$0x3FB8] =	sst s10  }
0x35: {  	s10 =	sld [smem:$0x3FB7];
	_ =	sdelay $0x3  }
0x36: {  	p1 =	seq.s32 s10, $0x1;
	s10 =	sld [smem:$0x3FB8];
	_ =	sdelay $0x3  }
0x37: {  	[smem:$0x3FB8] =	sst s10  }
0x38: {  	s10 =	sld [smem:$0x3FB9]  }
0x39: {  	_ = 	snop;
	(pc) =	sbr.ind lr, $3  }
0x3a: {  	_ = 	snop  }
0x3b: {  	_ = 	snop  }
0x3c: {  	p2 =	seq.s32 s10, $0x1;
	s10 =	sld [smem:$0x3FB8]  }
0x3d: {  	_ =	shalt  }
0x3e: {  	_ =	shalt  }
0x3f: {  	_ =	shalt  }
0x40: {  	_ =	shalt  }
0x41: {  	_ =	shalt  }
0x42: {  	_ =	shalt  }
0x43: {  	_ =	shalt  }
0x44: {  	_ =	shalt  }
0x45: {  	_ =	shalt  }
0x46: {  	_ =	shalt  }
0x47: {  	_ =	shalt  }
0x48: {  	_ =	shalt  }
0x49: {  	_ =	shalt  }
0x4a: {  	_ =	shalt  }
0x4b: {  	_ =	shalt  }
0x4c: {  	_ =	shalt  }
0x4d: {  	_ =	shalt  }
0x4e: {  	_ =	shalt  }
0x4f: {  	_ =	shalt  }
0x50: {  	_ =	shalt  }
0x51: {  	_ =	shalt  }
0x52: {  	_ =	shalt  }
0x53: {  	_ =	shalt  }
0x54: {  	_ =	shalt  }
0x55: {  	_ =	shalt  }
0x56: {  	_ =	shalt  }
0x57: {  	_ =	shalt  }
0x58: {  	_ =	shalt  }
0x59: {  	_ =	shalt  }
0x5a: {  	_ =	shalt  }
0x5b: {  	_ =	shalt  }
0x5c: {  	_ =	shalt  }
0x5d: {  	_ =	shalt  }
0x5e: {  	_ =	shalt  }
0x5f: {  	_ =	shalt  }
0x60: {  	_ =	shalt  }
0x61: {  	_ =	shalt  }
0x62: {  	_ =	shalt  }
0x63: {  	_ =	shalt  }
0x64: {  	_ =	shalt  }
0x65: {  	_ =	shalt  }
0x66: {  	_ =	shalt  }
0x67: {  	_ =	shalt  }
0x68: {  	_ =	shalt  }
0x69: {  	_ =	shalt  }
0x6a: {  	_ =	shalt  }
0x6b: {  	_ =	shalt  }
0x6c: {  	_ =	shalt  }
0x6d: {  	_ =	shalt  }
0x6e: {  	_ =	shalt  }
0x6f: {  	_ =	shalt  }
0x70: {  	_ =	shalt  }
0x71: {  	_ =	shalt  }
0x72: {  	_ =	shalt  }
0x73: {  	_ =	shalt  }
0x74: {  	_ =	shalt  }
0x75: {  	_ =	shalt  }
0x76: {  	_ =	shalt  }
0x77: {  	_ =	shalt  }
0x78: {  	_ =	shalt  }
0x79: {  	_ =	shalt  }
0x7a: {  	_ =	shalt  }
0x7b: {  	_ =	shalt  }
0x7c: {  	_ =	shalt  }
0x7d: {  	_ =	shalt  }
0x7e: {  	_ =	shalt  }
0x7f: {  	_ =	shalt  }
0x80: {  	_ =	shalt  }
0x81: {  	_ =	shalt  }
0x82: {  	_ =	shalt  }
0x83: {  	_ =	shalt  }
0x84: {  	_ =	shalt  }
0x85: {  	_ =	shalt  }
0x86: {  	_ =	shalt  }
0x87: {  	_ =	shalt  }
.Lfunc_end0:
.L_simem_size_0:
called_computation_lowered:
.L_overlay_start_0:
0x88: {  	s2 =	sld [smem:$0x3FD9]  }
0x89: {  	s3 =	sld [smem:$0x3FFE];
	_ =	sdelay $0x1  }
0x8a: {  	s1 =	srdreg.scid  }
0x8b: {  	s0 =	sand.u32 $0x1, s1  }
0x8c: {  	s16 =	sshll.u32 s0, $0xA;
	s2 =	sadd.s32 s3, s2  }
0x8d: {  	s2 =	sadd.s32 s2, s16  }
0x8e: {  	[smem:$0x3FC4] =	sst s2  }
0x8f: {  	_ = 	snop  }
0x90: {  	(tm) =	ssettm $0x1  }
0x91: {  	s17 =	sld [smem:$0x3FFB];
	_ =	sdelay $0x3  }
0x92: {  	_ =	strace s17  }
0x93: {  	s2 =	sld [smem:$0x3FFC];
	_ =	sdelay $0x3  }
0x94: {  	_ =	strace s2  }
0x95: {  	s2 =	sld [smem:$0x3FFD];
	_ =	sdelay $0x3  }
0x96: {  	_ =	strace s2  }
0x97: {  	_ =	strace $0x8FFFFFFF  }
0x98: {  	s18 =	sld [smem:$0x3FDB];
	_ =	sdelay $0x1  }
0x99: {  	s19 =	simm.s32 $_scs_section_size  }
0x9a: {  	s4 =	simm.s32 $_size__tile_overlayer_lowered;
	s5 =	simm.s32 $_tile_overlayer_lowered  }
0x9b: {  	s22 =	simm.s32 $0x1BFF;
	s21 =	sshll.u32 s5, $0x1;
	s2 =	sadd.s32 s19, s18  }
0x9c: {  	s6 =	simm.s32 $0x0;
	s20 =	sshll.u32 s4, $0x1;
	s4 =	sadd.s32 s21, s2  }
0x9d: {  	[timem:s6], [sflag:s22] =	dma.local [hbm:s4], s20  }
0x9e: {  	_ =	swait.ge [sflag:s22], s20  }
0x9f: {  	s3 =	ssub.s32 $0x0, s20;
	[sflag:s22] =	ssyncset.done $0x0  }
0xa0: {  	[sflag:s22] =	ssyncadd.s32 s3;
	_ =	sdelay $0x1  }
0xa1: {  	s23 =	simm.s32 $0x1B8B  }
0xa2: {  	_ =	swait.ge [sflag:s23], $0x1  }
0xa3: {  	[sflag:s23] =	ssyncset.done $0x0  }
0xa4: {  	s25 =	simm.s32 $0x1B8E;
	s24 =	sld [smem:$0x3FFE];
	[sflag:s23] =	ssyncadd.s32 $0xFFFFFFFF  }
0xa5: {  	s26 =	simm.s32 $execute0_lowered;
	[smem:$0x3FD2] =	sst s25  }
0xa6: {  	s4 =	sshll.u32 s26, $0x1;
	_ =	strace $0x80000046;
	[dreg:$0x1] =	wrdreg $0xFFFFFFFF  }
0xa7: {  	s28 =	simm.s32 $_size_execute0_lowered;
	s2 =	sadd.s32 s2, s4;
	[dreg:$0x0] =	wrdreg $0x0  }
0xa8: {  	s4 =	sshll.u32 s28, $0x1;
	[dreg:$0x2] =	wrdreg s2  }
0xa9: {  	[dreg:$0x3] =	wrdreg s4  }
0xaa: {  	[dreg:$0x4] =	wrdreg $0xC0  }
0xab: {  	_ =	task [dreg:s6], $0x5FFFF  }
0xac: {  	[dreg:$0x1] =	wrdreg $0xFFFFFFFF  }
0xad: {  	[dreg:$0x0] =	wrdreg $0x60  }
0xae: {  	[dreg:$0x2] =	wrdreg s24  }
0xaf: {  	[dreg:$0x3] =	wrdreg $0x9  }
0xb0: {  	_ =	task.clear_ibuf [dreg:s6], $0x4FFFF;
	_ =	strace $0x90000046  }
0xb1: {  	s29 =	simm.s32 $0x9;
	_ =	strace $0x80000048  }
0xb2: {  	_ =	swait.ge [sflag:s29], $0x1  }
0xb3: {  	[sflag:s29] =	ssyncadd.s32 $0xFFFFFFFF  }
0xb4: {  	_ =	strace $0x90000048  }
0xb5: {  	_ =	sfence  }
0xb6: {  	s30 =	sld [smem:$0x0];
	_ =	sdelay $0x2  }
0xb7: {  	s31 =	sshll.u32 s1, $0xD;
	s1 =	sshrl.u32 s1, $0x2  }
0xb8: {  	s3 =	sand.u32 $0x4000, s31;
	s1 =	sadd.s32 s1, s30  }
0xb9: {  	s0 =	sor.u32 s3, s0;
	s1 =	sshll.u32 s1, $0x11  }
0xba: {  	s0 =	sor.u32 s1, s0  }
0xbb: {  	s0 =	sadd.s32 $0x8F2B, s0  }
0xbc: {  	[sflag:s0] =	ssyncadd.remote.s32 $0x1  }
0xbd: {  	_ =	sfence.sel $0xFFFF  }
0xbe: {  	[dreg:$0x0] =	wrdreg $0xFFFFFFFF;
	(pc) =	sbr.abs _section_cstart, $3  }
0xbf: {  	[dreg:$0x1] =	wrdreg $0xFFFFFFFF  }
0xc0: {  	_ =	task.clear_ibuf [dreg:s6], $0x2FFFF;
	_ =	strace $0x9FFFFFFF  }
0xc1: {  	(tm) =	ssettm $0x7FFFFFFF  }
tec
execute0_lowered:
.L_overlay_start_1:
0x0: {  	(tag) =	ssettag $0x1  }
0x1: {  	s1 =	srdreg.scid;
	s0 =	stileid.u32  }
0x2: {  	s1 =	sand.u32 $0x1, s1;
	s2 =	sshll.u32 s0, $0x1  }
0x3: {  	s2 =	sor.u32 s1, s2  }
0x4: {  	s3 =	rddreg [dreg:$0x0];
	s4 =	smul.u32 $0x2C0, s2;
	s2 =	simm.s32 $0x0  }
0x5: {  	s10 =	simm.s32 $0x1680;
	[smem:$0x7FF] =	sst s2  }
0x6: {  	s11 =	simm.s32 $0x100;
	_ =	strace $0x80000047;
	[dreg:$0x4] =	wrdreg s10  }
0x7: {  	s12 =	simm.s32 $0x1700;
	[dreg:$0x5] =	wrdreg s11  }
0x8: {  	s13 =	simm.s32 $0x180;
	[dreg:$0x6] =	wrdreg s12  }
0x9: {  	s14 =	simm.s32 $0x1780;
	[dreg:$0x7] =	wrdreg s13  }
0xa: {  	s15 =	simm.s32 $0x200;
	[dreg:$0x8] =	wrdreg s14  }
0xb: {  	s16 =	simm.s32 $0x1800;
	[dreg:$0x9] =	wrdreg s15  }
0xc: {  	s17 =	simm.s32 $0x280;
	[dreg:$0xa] =	wrdreg s16  }
0xd: {  	s18 =	simm.s32 $0x1880;
	[dreg:$0xb] =	wrdreg s17  }
0xe: {  	s19 =	simm.s32 $0x300;
	[dreg:$0xc] =	wrdreg s18  }
0xf: {  	s20 =	simm.s32 $0x1900;
	[dreg:$0xd] =	wrdreg s19  }
0x10: {  	s21 =	simm.s32 $0x380;
	[dreg:$0xe] =	wrdreg s20  }
0x11: {  	s22 =	simm.s32 $0x1980;
	[dreg:$0xf] =	wrdreg s21  }
0x12: {  	s23 =	simm.s32 $0x400;
	[dreg:$0x10] =	wrdreg s22  }
0x13: {  	s24 =	simm.s32 $0x1A00;
	[dreg:$0x11] =	wrdreg s23  }
0x14: {  	s25 =	simm.s32 $0x480;
	[dreg:$0x12] =	wrdreg s24  }
0x15: {  	s26 =	simm.s32 $0x1A80;
	[dreg:$0x13] =	wrdreg s25  }
0x16: {  	s0 =	simm.s32 $0x500;
	[dreg:$0x14] =	wrdreg s26  }
0x17: {  	s6 =	simm.s32 $0x580;
	[dreg:$0x15] =	wrdreg s0  }
0x18: {  	s7 =	simm.s32 $0x1B80;
	[dreg:$0x17] =	wrdreg s6  }
0x19: {  	s8 =	simm.s32 $0x600;
	[dreg:$0x18] =	wrdreg s7  }
0x1a: {  	s9 =	simm.s32 $0x1C00;
	[dreg:$0x19] =	wrdreg s8  }
0x1b: {  	[dreg:$0x1a] =	wrdreg s9;
	s10 =	simm.s32 $0x680  }
0x1c: {  	s11 =	simm.s32 $0x1C80;
	[dreg:$0x1b] =	wrdreg s10  }
0x1d: {  	s12 =	simm.s32 $0x700;
	[dreg:$0x1c] =	wrdreg s11  }
0x1e: {  	s13 =	simm.s32 $0x1D00;
	[dreg:$0x1d] =	wrdreg s12  }
0x1f: {  	s14 =	simm.s32 $0x780;
	[dreg:$0x1e] =	wrdreg s13  }
0x20: {  	s15 =	simm.s32 $0x1D80;
	[dreg:$0x1f] =	wrdreg s14  }
0x21: {  	s16 =	simm.s32 $0x800;
	[smem:$0x7DC] =	sst s15  }
0x22: {  	s17 =	simm.s32 $0x1E00;
	[smem:$0x7DD] =	sst s16  }
0x23: {  	s18 =	simm.s32 $0x880;
	[smem:$0x7DE] =	sst s17  }
0x24: {  	s19 =	simm.s32 $0x1E80;
	[smem:$0x7DF] =	sst s18  }
0x25: {  	s20 =	simm.s32 $0x900;
	[smem:$0x7E0] =	sst s19  }
0x26: {  	s21 =	simm.s32 $0x1F00;
	[smem:$0x7E1] =	sst s20  }
0x27: {  	s22 =	simm.s32 $0x980;
	[smem:$0x7E2] =	sst s21  }
0x28: {  	s23 =	simm.s32 $0x1F80;
	[smem:$0x7E3] =	sst s22  }
0x29: {  	s24 =	simm.s32 $0xA00;
	[smem:$0x7E4] =	sst s23  }
0x2a: {  	s25 =	simm.s32 $0x2000;
	[smem:$0x7E5] =	sst s24  }
0x2b: {  	s26 =	simm.s32 $0xA80;
	[smem:$0x7E6] =	sst s25  }
0x2c: {  	s0 =	simm.s32 $0x2080;
	[smem:$0x7E7] =	sst s26  }
0x2d: {  	s6 =	simm.s32 $0x2100;
	[smem:$0x7E8] =	sst s0  }
0x2e: {  	s7 =	simm.s32 $0xB80;
	[smem:$0x7EA] =	sst s6  }
0x2f: {  	s8 =	simm.s32 $0x2180;
	[smem:$0x7EB] =	sst s7  }
0x30: {  	s4 =	sadd.s32 s4, s3;
	s9 =	simm.s32 $0xC00;
	[smem:$0x7EC] =	sst s8  }
0x31: {  	s5 =	sadd.s32 $0x20800, s4;
	[smem:$0x7ED] =	sst s9  }
0x32: {  	s4 =	sadd.s32 $0x26000, s4;
	[dreg:$0x2] =	wrdreg s5  }
0x33: {  	s10 =	simm.s32 $0x2200;
	[dreg:$0x3] =	wrdreg s4  }
0x34: {  	s11 =	simm.s32 $0xC80;
	[smem:$0x7EE] =	sst s10  }
0x35: {  	s12 =	simm.s32 $0x2280;
	[smem:$0x7EF] =	sst s11  }
0x36: {  	s13 =	simm.s32 $0xD00;
	[smem:$0x7F0] =	sst s12  }
0x37: {  	s14 =	simm.s32 $0x2300;
	[smem:$0x7F1] =	sst s13  }
0x38: {  	s15 =	simm.s32 $0xD80;
	[smem:$0x7F2] =	sst s14  }
0x39: {  	s28 =	simm.s32 $0x1500;
	s16 =	simm.s32 $0x2380;
	[smem:$0x7F3] =	sst s15  }
0x3a: {  	s29 =	simm.s32 $0x2B00;
	s17 =	simm.s32 $0xE00;
	[smem:$0x7F4] =	sst s16  }
0x3b: {  	s30 =	simm.s32 $0x1580;
	s18 =	simm.s32 $0x2400;
	[smem:$0x7F5] =	sst s17  }
0x3c: {  	s31 =	simm.s32 $0x2B80;
	s19 =	simm.s32 $0xE80;
	[smem:$0x7F6] =	sst s18  }
0x3d: {  	s1 =	ssub.s32 $0x2, s1;
	s20 =	simm.s32 $0x2480;
	[smem:$0x7F7] =	sst s19  }
0x3e: {  	s3 =	sadd.s32 $0x1400, s3;
	s21 =	simm.s32 $0xF00;
	[smem:$0x7F8] =	sst s20  }
0x3f: {  	s22 =	sshrl.u32 s1, $0x1;
	s23 =	simm.s32 $0x2500;
	[smem:$0x7F9] =	sst s21  }
0x40: {  	s24 =	simm.s32 $0xF80;
	s25 =	simm.s32 $0x2580;
	[smem:$0x7FA] =	sst s23  }
0x41: {  	s26 =	simm.s32 $0x1000;
	s6 =	simm.s32 $0x80;
	[smem:$0x7FB] =	sst s24  }
0x42: {  	s7 =	simm.s32 $0x1600;
	s5 =	simm.s32 $0x1B00;
	[smem:$0x7FC] =	sst s25  }
0x43: {  	s1 =	ssub.s32 s1, s22;
	[smem:$0x7FD] =	sst s26;
	s11 =	simm.s32 $0x1100  }
0x44: {  	s12 =	simm.s32 $0x2700;
	s13 =	simm.s32 $0x1180;
	s14 =	simm.s32 $0x2780  }
0x45: {  	s15 =	simm.s32 $0x1200;
	s16 =	simm.s32 $0x2800;
	s17 =	simm.s32 $0x1280  }
0x46: {  	s18 =	simm.s32 $0x2880;
	s19 =	simm.s32 $0x1300;
	s20 =	simm.s32 $0x2900  }
0x47: {  	s21 =	simm.s32 $0x1380;
	s22 =	simm.s32 $0x2980;
	s23 =	simm.s32 $0x1400  }
0x48: {  	s24 =	simm.s32 $0x2A00;
	s25 =	simm.s32 $0x1480;
	s26 =	simm.s32 $0x2A80  }
0x49: {  	[dreg:$0x16] =	wrdreg s5;
	s5 =	simm.s32 $0xB00;
	s4 =	smax.u32 s1, $0x1  }
0x4a: {  	s1 =	simm.s32 $0x1;
	[smem:$0x7E9] =	sst s5;
	s5 =	simm.s32 $0x2  }
.LBB2_1:
0x4b: {  	s0 =	rddreg [dreg:$0x2]  }
0x4c: {  	[tilespmem:s2], [sflag:$0x2] =	stream.linear.gather [hbm4b:s0+s2], $0x1600, $0x38;
	[tilespmem:$0x2C00] =	vst v63  }
0x4d: {  	_ =	swait.ge [sflag:s5], $0x1600  }
0x4e: {  	s10 =	rddreg [dreg:$0x4]  }
0x4f: {  	[sflag:s5] =	ssyncset.done $0x0;
	s0 =	rddreg [dreg:$0x5]  }
0x50: {  	s8 =	rddreg [dreg:$0x6];
	[sflag:s5] =	ssyncadd.s32 $0xFFFFEA00  }
0x51: {  	[tilespmem:s7], [sflag:$0x1] =	stream.indirect.gather [hbm4b:s3+s6], $0x1, s2, s6, $0xb8;
	[tilespmem:$0x2C00] =	vst v63  }
0x52: {  	s9 =	rddreg [dreg:$0x7]  }
0x53: {  	[tilespmem:s10], [sflag:$0x1] =	stream.indirect.gather [hbm4b:s3+s6], $0x1, s6, s6, $0xb8;
	[tilespmem:$0x2C00] =	vst v63  }
0x54: {  	s10 =	rddreg [dreg:$0x8]  }
0x55: {  	[tilespmem:s8], [sflag:$0x1] =	stream.indirect.gather [hbm4b:s3+s6], $0x1, s0, s6, $0xb8;
	[tilespmem:$0x2C00] =	vst v63  }
0x56: {  	s0 =	rddreg [dreg:$0x9]  }
0x57: {  	s8 =	rddreg [dreg:$0xa]  }
0x58: {  	[tilespmem:s10], [sflag:$0x1] =	stream.indirect.gather [hbm4b:s3+s6], $0x1, s9, s6, $0xb8;
	[tilespmem:$0x2C00] =	vst v63  }
0x59: {  	s9 =	rddreg [dreg:$0xb]  }
0x5a: {  	s10 =	rddreg [dreg:$0xc]  }
0x5b: {  	[tilespmem:s8], [sflag:$0x1] =	stream.indirect.gather [hbm4b:s3+s6], $0x1, s0, s6, $0xb8;
	[tilespmem:$0x2C00] =	vst v63  }
0x5c: {  	s0 =	rddreg [dreg:$0xd]  }
0x5d: {  	s8 =	rddreg [dreg:$0xe]  }
0x5e: {  	[tilespmem:s10], [sflag:$0x1] =	stream.indirect.gather [hbm4b:s3+s6], $0x1, s9, s6, $0xb8;
	[tilespmem:$0x2C00] =	vst v63  }
0x5f: {  	s9 =	rddreg [dreg:$0xf]  }
0x60: {  	s10 =	rddreg [dreg:$0x10]  }
0x61: {  	[tilespmem:s8], [sflag:$0x1] =	stream.indirect.gather [hbm4b:s3+s6], $0x1, s0, s6, $0xb8;
	[tilespmem:$0x2C00] =	vst v63  }
0x62: {  	s0 =	rddreg [dreg:$0x11]  }
0x63: {  	s8 =	rddreg [dreg:$0x12]  }
0x64: {  	[tilespmem:s10], [sflag:$0x1] =	stream.indirect.gather [hbm4b:s3+s6], $0x1, s9, s6, $0xb8;
	[tilespmem:$0x2C00] =	vst v63  }
0x65: {  	s9 =	rddreg [dreg:$0x13]  }
0x66: {  	s10 =	rddreg [dreg:$0x14]  }
0x67: {  	[tilespmem:s8], [sflag:$0x1] =	stream.indirect.gather [hbm4b:s3+s6], $0x1, s0, s6, $0xb8;
	[tilespmem:$0x2C00] =	vst v63  }
0x68: {  	s0 =	rddreg [dreg:$0x15]  }
0x69: {  	s8 =	rddreg [dreg:$0x16]  }
0x6a: {  	[tilespmem:s10], [sflag:$0x1] =	stream.indirect.gather [hbm4b:s3+s6], $0x1, s9, s6, $0xb8;
	[tilespmem:$0x2C00] =	vst v63  }
0x6b: {  	s9 =	rddreg [dreg:$0x17]  }
0x6c: {  	s10 =	rddreg [dreg:$0x18]  }
0x6d: {  	[tilespmem:s8], [sflag:$0x1] =	stream.indirect.gather [hbm4b:s3+s6], $0x1, s0, s6, $0xb8;
	[tilespmem:$0x2C00] =	vst v63  }
0x6e: {  	s0 =	rddreg [dreg:$0x19]  }
0x6f: {  	s8 =	rddreg [dreg:$0x1a]  }
0x70: {  	[tilespmem:s10], [sflag:$0x1] =	stream.indirect.gather [hbm4b:s3+s6], $0x1, s9, s6, $0xb8;
	[tilespmem:$0x2C00] =	vst v63  }
0x71: {  	s9 =	rddreg [dreg:$0x1b]  }
0x72: {  	s10 =	rddreg [dreg:$0x1c]  }
0x73: {  	[tilespmem:s8], [sflag:$0x1] =	stream.indirect.gather [hbm4b:s3+s6], $0x1, s0, s6, $0xb8;
	[tilespmem:$0x2C00] =	vst v63  }
0x74: {  	s0 =	rddreg [dreg:$0x1d]  }
0x75: {  	s8 =	rddreg [dreg:$0x1e]  }
0x76: {  	[tilespmem:s10], [sflag:$0x1] =	stream.indirect.gather [hbm4b:s3+s6], $0x1, s9, s6, $0xb8;
	[tilespmem:$0x2C00] =	vst v63  }
0x77: {  	s9 =	rddreg [dreg:$0x1f]  }
0x78: {  	s10 =	sld [smem:$0x7DC]  }
0x79: {  	[tilespmem:s8], [sflag:$0x1] =	stream.indirect.gather [hbm4b:s3+s6], $0x1, s0, s6, $0xb8;
	[tilespmem:$0x2C00] =	vst v63  }
0x7a: {  	s0 =	sld [smem:$0x7DD]  }
0x7b: {  	s8 =	sld [smem:$0x7DE]  }
0x7c: {  	[tilespmem:s10], [sflag:$0x1] =	stream.indirect.gather [hbm4b:s3+s6], $0x1, s9, s6, $0xb8;
	[tilespmem:$0x2C00] =	vst v63  }
0x7d: {  	s9 =	sld [smem:$0x7DF]  }
0x7e: {  	s10 =	sld [smem:$0x7E0]  }
0x7f: {  	[tilespmem:s8], [sflag:$0x1] =	stream.indirect.gather [hbm4b:s3+s6], $0x1, s0, s6, $0xb8;
	[tilespmem:$0x2C00] =	vst v63  }
0x80: {  	s0 =	sld [smem:$0x7E1]  }
0x81: {  	s8 =	sld [smem:$0x7E2]  }
0x82: {  	[tilespmem:s10], [sflag:$0x1] =	stream.indirect.gather [hbm4b:s3+s6], $0x1, s9, s6, $0xb8;
	[tilespmem:$0x2C00] =	vst v63  }
0x83: {  	s9 =	sld [smem:$0x7E3]  }
0x84: {  	s10 =	sld [smem:$0x7E4]  }
0x85: {  	[tilespmem:s8], [sflag:$0x1] =	stream.indirect.gather [hbm4b:s3+s6], $0x1, s0, s6, $0xb8;
	[tilespmem:$0x2C00] =	vst v63  }
0x86: {  	s0 =	sld [smem:$0x7E5]  }
0x87: {  	s8 =	sld [smem:$0x7E6]  }
0x88: {  	[tilespmem:s10], [sflag:$0x1] =	stream.indirect.gather [hbm4b:s3+s6], $0x1, s9, s6, $0xb8;
	[tilespmem:$0x2C00] =	vst v63  }
0x89: {  	s9 =	sld [smem:$0x7E7]  }
0x8a: {  	s10 =	sld [smem:$0x7E8]  }
0x8b: {  	[tilespmem:s8], [sflag:$0x1] =	stream.indirect.gather [hbm4b:s3+s6], $0x1, s0, s6, $0xb8;
	[tilespmem:$0x2C00] =	vst v63  }
0x8c: {  	s0 =	sld [smem:$0x7E9]  }
0x8d: {  	s8 =	sld [smem:$0x7EA]  }
0x8e: {  	[tilespmem:s10], [sflag:$0x1] =	stream.indirect.gather [hbm4b:s3+s6], $0x1, s9, s6, $0xb8;
	[tilespmem:$0x2C00] =	vst v63  }
0x8f: {  	s9 =	sld [smem:$0x7EB]  }
0x90: {  	s10 =	sld [smem:$0x7EC]  }
0x91: {  	[tilespmem:s8], [sflag:$0x1] =	stream.indirect.gather [hbm4b:s3+s6], $0x1, s0, s6, $0xb8;
	[tilespmem:$0x2C00] =	vst v63  }
0x92: {  	s0 =	sld [smem:$0x7ED]  }
0x93: {  	s8 =	sld [smem:$0x7EE]  }
0x94: {  	[tilespmem:s10], [sflag:$0x1] =	stream.indirect.gather [hbm4b:s3+s6], $0x1, s9, s6, $0xb8;
	[tilespmem:$0x2C00] =	vst v63  }
0x95: {  	s9 =	sld [smem:$0x7EF]  }
0x96: {  	s10 =	sld [smem:$0x7F0]  }
0x97: {  	[tilespmem:s8], [sflag:$0x1] =	stream.indirect.gather [hbm4b:s3+s6], $0x1, s0, s6, $0xb8;
	[tilespmem:$0x2C00] =	vst v63  }
0x98: {  	s0 =	sld [smem:$0x7F1]  }
0x99: {  	s8 =	sld [smem:$0x7F2]  }
0x9a: {  	[tilespmem:s10], [sflag:$0x1] =	stream.indirect.gather [hbm4b:s3+s6], $0x1, s9, s6, $0xb8;
	[tilespmem:$0x2C00] =	vst v63  }
0x9b: {  	s9 =	sld [smem:$0x7F3]  }
0x9c: {  	s10 =	sld [smem:$0x7F4]  }
0x9d: {  	[tilespmem:s8], [sflag:$0x1] =	stream.indirect.gather [hbm4b:s3+s6], $0x1, s0, s6, $0xb8;
	[tilespmem:$0x2C00] =	vst v63  }
0x9e: {  	s0 =	sld [smem:$0x7F5]  }
0x9f: {  	s8 =	sld [smem:$0x7F6]  }
0xa0: {  	[tilespmem:s10], [sflag:$0x1] =	stream.indirect.gather [hbm4b:s3+s6], $0x1, s9, s6, $0xb8;
	[tilespmem:$0x2C00] =	vst v63  }
0xa1: {  	s9 =	sld [smem:$0x7F7]  }
0xa2: {  	s10 =	sld [smem:$0x7F8]  }
0xa3: {  	[tilespmem:s8], [sflag:$0x1] =	stream.indirect.gather [hbm4b:s3+s6], $0x1, s0, s6, $0xb8;
	[tilespmem:$0x2C00] =	vst v63  }
0xa4: {  	s0 =	sld [smem:$0x7F9]  }
0xa5: {  	s8 =	sld [smem:$0x7FA]  }
0xa6: {  	[tilespmem:s10], [sflag:$0x1] =	stream.indirect.gather [hbm4b:s3+s6], $0x1, s9, s6, $0xb8;
	[tilespmem:$0x2C00] =	vst v63  }
0xa7: {  	s9 =	sld [smem:$0x7FB]  }
0xa8: {  	s10 =	sld [smem:$0x7FC]  }
0xa9: {  	[tilespmem:s8], [sflag:$0x1] =	stream.indirect.gather [hbm4b:s3+s6], $0x1, s0, s6, $0xb8;
	[tilespmem:$0x2C00] =	vst v63  }
0xaa: {  	s8 =	sld [smem:$0x7FD]  }
0xab: {  	[tilespmem:s10], [sflag:$0x1] =	stream.indirect.gather [hbm4b:s3+s6], $0x1, s9, s6, $0xb8;
	[tilespmem:$0x2C00] =	vst v63  }
0xac: {  	s10 =	simm.s32 $0x2600  }
0xad: {  	[tilespmem:s10], [sflag:$0x1] =	stream.indirect.gather [hbm4b:s3+s6], $0x1, s8, s6, $0xb8;
	[tilespmem:$0x2C00] =	vst v63  }
0xae: {  	s9 =	simm.s32 $0x2680;
	s8 =	simm.s32 $0x1080  }
0xaf: {  	[tilespmem:s9], [sflag:$0x1] =	stream.indirect.gather [hbm4b:s3+s6], $0x1, s8, s6, $0xb8;
	[tilespmem:$0x2C00] =	vst v63  }
0xb0: {  	_ = 	snop  }
0xb1: {  	[tilespmem:s12], [sflag:$0x1] =	stream.indirect.gather [hbm4b:s3+s6], $0x1, s11, s6, $0xb8;
	[tilespmem:$0x2C00] =	vst v63  }
0xb2: {  	_ = 	snop  }
0xb3: {  	[tilespmem:s14], [sflag:$0x1] =	stream.indirect.gather [hbm4b:s3+s6], $0x1, s13, s6, $0xb8;
	[tilespmem:$0x2C00] =	vst v63  }
0xb4: {  	_ = 	snop  }
0xb5: {  	[tilespmem:s16], [sflag:$0x1] =	stream.indirect.gather [hbm4b:s3+s6], $0x1, s15, s6, $0xb8;
	[tilespmem:$0x2C00] =	vst v63  }
0xb6: {  	_ = 	snop  }
0xb7: {  	[tilespmem:s18], [sflag:$0x1] =	stream.indirect.gather [hbm4b:s3+s6], $0x1, s17, s6, $0xb8;
	[tilespmem:$0x2C00] =	vst v63  }
0xb8: {  	_ = 	snop  }
0xb9: {  	[tilespmem:s20], [sflag:$0x1] =	stream.indirect.gather [hbm4b:s3+s6], $0x1, s19, s6, $0xb8;
	[tilespmem:$0x2C00] =	vst v63  }
0xba: {  	_ = 	snop  }
0xbb: {  	[tilespmem:s22], [sflag:$0x1] =	stream.indirect.gather [hbm4b:s3+s6], $0x1, s21, s6, $0xb8;
	[tilespmem:$0x2C00] =	vst v63  }
0xbc: {  	_ = 	snop  }
0xbd: {  	[tilespmem:s24], [sflag:$0x1] =	stream.indirect.gather [hbm4b:s3+s6], $0x1, s23, s6, $0xb8;
	[tilespmem:$0x2C00] =	vst v63  }
0xbe: {  	_ = 	snop  }
0xbf: {  	[tilespmem:s26], [sflag:$0x1] =	stream.indirect.gather [hbm4b:s3+s6], $0x1, s25, s6, $0xb8;
	[tilespmem:$0x2C00] =	vst v63  }
0xc0: {  	_ = 	snop  }
0xc1: {  	[tilespmem:s29], [sflag:$0x1] =	stream.indirect.gather [hbm4b:s3+s6], $0x1, s28, s6, $0xb8;
	[tilespmem:$0x2C00] =	vst v63  }
0xc2: {  	_ = 	snop  }
0xc3: {  	[tilespmem:s31], [sflag:$0x1] =	stream.indirect.gather [hbm4b:s3+s6], $0x1, s30, s6, $0xb8;
	[tilespmem:$0x2C00] =	vst v63  }
0xc4: {  	_ =	swait.ge [sflag:s1], $0x80  }
0xc5: {  	[sflag:s1] =	ssyncset.done $0x0  }
0xc6: {  	[sflag:s1] =	ssyncadd.s32 $0xFFFFFF80  }
0xc7: {  	_ =	swait.ge [sflag:s1], $0x80  }
0xc8: {  	[sflag:s1] =	ssyncset.done $0x0  }
0xc9: {  	[sflag:s1] =	ssyncadd.s32 $0xFFFFFF80  }
0xca: {  	_ =	swait.ge [sflag:s1], $0x80  }
0xcb: {  	[sflag:s1] =	ssyncset.done $0x0  }
0xcc: {  	[sflag:s1] =	ssyncadd.s32 $0xFFFFFF80  }
0xcd: {  	_ =	swait.ge [sflag:s1], $0x80  }
0xce: {  	[sflag:s1] =	ssyncset.done $0x0  }
0xcf: {  	[sflag:s1] =	ssyncadd.s32 $0xFFFFFF80  }
0xd0: {  	_ =	swait.ge [sflag:s1], $0x80  }
0xd1: {  	[sflag:s1] =	ssyncset.done $0x0  }
0xd2: {  	[sflag:s1] =	ssyncadd.s32 $0xFFFFFF80  }
0xd3: {  	_ =	swait.ge [sflag:s1], $0x80  }
0xd4: {  	[sflag:s1] =	ssyncset.done $0x0  }
0xd5: {  	[sflag:s1] =	ssyncadd.s32 $0xFFFFFF80  }
0xd6: {  	_ =	swait.ge [sflag:s1], $0x80  }
0xd7: {  	[sflag:s1] =	ssyncset.done $0x0  }
0xd8: {  	[sflag:s1] =	ssyncadd.s32 $0xFFFFFF80  }
0xd9: {  	_ =	swait.ge [sflag:s1], $0x80  }
0xda: {  	[sflag:s1] =	ssyncset.done $0x0  }
0xdb: {  	[sflag:s1] =	ssyncadd.s32 $0xFFFFFF80  }
0xdc: {  	_ =	swait.ge [sflag:s1], $0x80  }
0xdd: {  	[sflag:s1] =	ssyncset.done $0x0  }
0xde: {  	[sflag:s1] =	ssyncadd.s32 $0xFFFFFF80  }
0xdf: {  	_ =	swait.ge [sflag:s1], $0x80  }
0xe0: {  	[sflag:s1] =	ssyncset.done $0x0  }
0xe1: {  	[sflag:s1] =	ssyncadd.s32 $0xFFFFFF80  }
0xe2: {  	_ =	swait.ge [sflag:s1], $0x80  }
0xe3: {  	[sflag:s1] =	ssyncset.done $0x0  }
0xe4: {  	[sflag:s1] =	ssyncadd.s32 $0xFFFFFF80  }
0xe5: {  	_ =	swait.ge [sflag:s1], $0x80  }
0xe6: {  	[sflag:s1] =	ssyncset.done $0x0  }
0xe7: {  	[sflag:s1] =	ssyncadd.s32 $0xFFFFFF80  }
0xe8: {  	_ =	swait.ge [sflag:s1], $0x80  }
0xe9: {  	[sflag:s1] =	ssyncset.done $0x0  }
0xea: {  	[sflag:s1] =	ssyncadd.s32 $0xFFFFFF80  }
0xeb: {  	_ =	swait.ge [sflag:s1], $0x80  }
0xec: {  	[sflag:s1] =	ssyncset.done $0x0  }
0xed: {  	[sflag:s1] =	ssyncadd.s32 $0xFFFFFF80  }
0xee: {  	_ =	swait.ge [sflag:s1], $0x80  }
0xef: {  	[sflag:s1] =	ssyncset.done $0x0  }
0xf0: {  	[sflag:s1] =	ssyncadd.s32 $0xFFFFFF80  }
0xf1: {  	_ =	swait.ge [sflag:s1], $0x80  }
0xf2: {  	[sflag:s1] =	ssyncset.done $0x0  }
0xf3: {  	[sflag:s1] =	ssyncadd.s32 $0xFFFFFF80  }
0xf4: {  	_ =	swait.ge [sflag:s1], $0x80  }
0xf5: {  	[sflag:s1] =	ssyncset.done $0x0  }
0xf6: {  	[sflag:s1] =	ssyncadd.s32 $0xFFFFFF80  }
0xf7: {  	_ =	swait.ge [sflag:s1], $0x80  }
0xf8: {  	[sflag:s1] =	ssyncset.done $0x0  }
0xf9: {  	[sflag:s1] =	ssyncadd.s32 $0xFFFFFF80  }
0xfa: {  	_ =	swait.ge [sflag:s1], $0x80  }
0xfb: {  	[sflag:s1] =	ssyncset.done $0x0  }
0xfc: {  	[sflag:s1] =	ssyncadd.s32 $0xFFFFFF80  }
0xfd: {  	_ =	swait.ge [sflag:s1], $0x80  }
0xfe: {  	[sflag:s1] =	ssyncset.done $0x0  }
0xff: {  	[sflag:s1] =	ssyncadd.s32 $0xFFFFFF80  }
0x100: {  	_ =	swait.ge [sflag:s1], $0x80  }
0x101: {  	[sflag:s1] =	ssyncset.done $0x0  }
0x102: {  	[sflag:s1] =	ssyncadd.s32 $0xFFFFFF80  }
0x103: {  	_ =	swait.ge [sflag:s1], $0x80  }
0x104: {  	[sflag:s1] =	ssyncset.done $0x0  }
0x105: {  	[sflag:s1] =	ssyncadd.s32 $0xFFFFFF80  }
0x106: {  	_ =	swait.ge [sflag:s1], $0x80  }
0x107: {  	[sflag:s1] =	ssyncset.done $0x0  }
0x108: {  	[sflag:s1] =	ssyncadd.s32 $0xFFFFFF80  }
0x109: {  	_ =	swait.ge [sflag:s1], $0x80  }
0x10a: {  	[sflag:s1] =	ssyncset.done $0x0  }
0x10b: {  	[sflag:s1] =	ssyncadd.s32 $0xFFFFFF80  }
0x10c: {  	_ =	swait.ge [sflag:s1], $0x80  }
0x10d: {  	[sflag:s1] =	ssyncset.done $0x0  }
0x10e: {  	[sflag:s1] =	ssyncadd.s32 $0xFFFFFF80  }
0x10f: {  	_ =	swait.ge [sflag:s1], $0x80  }
0x110: {  	[sflag:s1] =	ssyncset.done $0x0  }
0x111: {  	[sflag:s1] =	ssyncadd.s32 $0xFFFFFF80  }
0x112: {  	_ =	swait.ge [sflag:s1], $0x80  }
0x113: {  	[sflag:s1] =	ssyncset.done $0x0  }
0x114: {  	[sflag:s1] =	ssyncadd.s32 $0xFFFFFF80  }
0x115: {  	_ =	swait.ge [sflag:s1], $0x80  }
0x116: {  	[sflag:s1] =	ssyncset.done $0x0  }
0x117: {  	[sflag:s1] =	ssyncadd.s32 $0xFFFFFF80  }
0x118: {  	_ =	swait.ge [sflag:s1], $0x80  }
0x119: {  	[sflag:s1] =	ssyncset.done $0x0  }
0x11a: {  	[sflag:s1] =	ssyncadd.s32 $0xFFFFFF80  }
0x11b: {  	_ =	swait.ge [sflag:s1], $0x80  }
0x11c: {  	[sflag:s1] =	ssyncset.done $0x0  }
0x11d: {  	[sflag:s1] =	ssyncadd.s32 $0xFFFFFF80  }
0x11e: {  	_ =	swait.ge [sflag:s1], $0x80  }
0x11f: {  	[sflag:s1] =	ssyncset.done $0x0  }
0x120: {  	[sflag:s1] =	ssyncadd.s32 $0xFFFFFF80  }
0x121: {  	_ =	swait.ge [sflag:s1], $0x80  }
0x122: {  	[sflag:s1] =	ssyncset.done $0x0  }
0x123: {  	[sflag:s1] =	ssyncadd.s32 $0xFFFFFF80  }
0x124: {  	_ =	swait.ge [sflag:s1], $0x80  }
0x125: {  	[sflag:s1] =	ssyncset.done $0x0  }
0x126: {  	[sflag:s1] =	ssyncadd.s32 $0xFFFFFF80  }
0x127: {  	_ =	swait.ge [sflag:s1], $0x80  }
0x128: {  	[sflag:s1] =	ssyncset.done $0x0  }
0x129: {  	[sflag:s1] =	ssyncadd.s32 $0xFFFFFF80  }
0x12a: {  	_ =	swait.ge [sflag:s1], $0x80  }
0x12b: {  	[sflag:s1] =	ssyncset.done $0x0  }
0x12c: {  	[sflag:s1] =	ssyncadd.s32 $0xFFFFFF80  }
0x12d: {  	_ =	swait.ge [sflag:s1], $0x80  }
0x12e: {  	[sflag:s1] =	ssyncset.done $0x0  }
0x12f: {  	[sflag:s1] =	ssyncadd.s32 $0xFFFFFF80  }
0x130: {  	_ =	swait.ge [sflag:s1], $0x80  }
0x131: {  	[sflag:s1] =	ssyncset.done $0x0  }
0x132: {  	[sflag:s1] =	ssyncadd.s32 $0xFFFFFF80  }
0x133: {  	_ =	swait.ge [sflag:s1], $0x80  }
0x134: {  	[sflag:s1] =	ssyncset.done $0x0  }
0x135: {  	[sflag:s1] =	ssyncadd.s32 $0xFFFFFF80  }
0x136: {  	_ =	swait.ge [sflag:s1], $0x80  }
0x137: {  	[sflag:s1] =	ssyncset.done $0x0  }
0x138: {  	[sflag:s1] =	ssyncadd.s32 $0xFFFFFF80  }
0x139: {  	_ =	swait.ge [sflag:s1], $0x80  }
0x13a: {  	[sflag:s1] =	ssyncset.done $0x0  }
0x13b: {  	[sflag:s1] =	ssyncadd.s32 $0xFFFFFF80  }
0x13c: {  	_ =	swait.ge [sflag:s1], $0x80  }
0x13d: {  	[sflag:s1] =	ssyncset.done $0x0  }
0x13e: {  	[sflag:s1] =	ssyncadd.s32 $0xFFFFFF80  }
0x13f: {  	_ =	swait.ge [sflag:s1], $0x80  }
0x140: {  	[sflag:s1] =	ssyncset.done $0x0  }
0x141: {  	[sflag:s1] =	ssyncadd.s32 $0xFFFFFF80  }
0x142: {  	_ =	swait.ge [sflag:s1], $0x80  }
0x143: {  	[sflag:s1] =	ssyncset.done $0x0  }
0x144: {  	[sflag:s1] =	ssyncadd.s32 $0xFFFFFF80  }
0x145: {  	_ =	swait.ge [sflag:s1], $0x80  }
0x146: {  	p0 =	sne.s32 s4, $0x1;
	[sflag:s1] =	ssyncset.done $0x0  }
.Ltmp0:
0x147: {  	s10 =	rddreg [dreg:$0x3];
	[sflag:s1] =	ssyncadd.s32 $0xFFFFFF80;
	(pc) =	sbr.rel @p0 .LBB2_1-.Ltmp0, $4  }
0x148: {  	[hbm4b:s10+s2] =	stream.linear.scatter [tilespmem:s7], [sflag:$0x2], $0x1600, $0x38;
	[tilespmem:$0x2C00] =	vst v63  }
0x149: {  	_ =	swait.ge [sflag:s5], $0x1600  }
0x14a: {  	[sflag:s5] =	ssyncset.done $0x0  }
0x14b: {  	s4 =	sadd.s32 $0xFFFFFFFF, s4;
	[sflag:s5] =	ssyncadd.s32 $0xFFFFEA00  }
0x14c: {  	_ =	sfence.sel $0x180000  }
0x14d: {  	[bflag:$0x0] =	sbarrier.arrive $0xFFFF  }
0x14e: {  	_ =	strace $0x90000047  }
0x14f: {  	s0 =	stileid.u32;
	[bflag:$0x2] =	sbarrier.arrive $0xFFFF  }
0x150: {  	p0 =	sne.s32 s0, $0x0;
	s0 =	rddreg [dreg:$0x1]  }
0x151: {  	s0 =	sadd.s32 @!p0 $0x100000, s0  }
0x152: {  	[sflag:s0] =	ssyncadd.tile.s32 @!p0 $0x1;
	_ =	shalt  }
.Lfunc_end2:
_tile_overlayer_lowered:
.L_overlay_start_2:
0x153: {  	(tag) =	ssettag $0x2  }
0x154: {  	s0 =	rddreg [dreg:$0x0];
	s2 =	stileid.u32  }
0x155: {  	s1 =	rddreg [dreg:$0x1];
	p0 =	sne.s32 s2, $0x0  }
0x156: {  	s3 =	rddreg [dreg:$0x2];
	[bflag:$0x3] =	sbarrier.arrive $0xFFFF;
	s2 =	simm.s32 @!p0 $0x1C02  }
0x157: {  	[timem:s3], [sflag:s2] =	dma.local @!p0 [hbm:s0], s1  }
0x158: {  	s0 =	simm.s32 @!p0 $0x2  }
0x159: {  	_ =	swait.ge @!p0 [sflag:s0], s1  }
0x15a: {  	s1 =	ssub.s32 @!p0 $0x0, s1;
	[sflag:s0] =	ssyncset.done @!p0 $0x0  }
0x15b: {  	[sflag:s0] =	ssyncadd.s32 @!p0 s1  }
0x15c: {  	[bflag:$0x3] =	sbarrier.arrive $0xFFFF  }
0x15d: {  	_ =	shalt  }

</sc_bundles>
